<compile_context>
chip_gen: v7x
topology: tpu7x:2x2x1
jax: 0.10.2.dev20260603
libtpu: 0.0.44.dev20260713+nightly
codegen_flags: <defaults>
</compile_context>

<pallas_src>
import jax
import jax.numpy as jnp
from jax import lax
from jax.experimental import pallas as pl
from jax.experimental.pallas import tpu as pltpu
from jax.experimental.pallas import tpu_sc as plsc

N = 100000
E = 6400000
NWT = 1024
NT = 50000
NPAD = 102400

NC = 2
NS = 16
W = NC * NS

CH = 2560
NCHUNK = E // CH
CPW = -(-NCHUNK // W)
KTOT = (CPW + 2 + 5) // 6

TT = 32 * CH
TPT = TT // NS

SEG = NPAD // NS


def _sc_body(x_hbm, w_hbm, u_hbm, v_hbm, wi_hbm, tgt_hbm,
             out0, out1,
             x_v, w_v, u_v0, u_v1, wi_v0, wi_v1, idx0, idx1, idx2, val0,
             val1, lsem0, lsem1, ssem0, ssem1, ssem2, acc):
    c = lax.axis_index("c")
    s = lax.axis_index("s")
    wid = c * NS + s
    ubuf = (u_v0, u_v1)
    wibuf = (wi_v0, wi_v1)
    ibuf = (idx0, idx1, idx2)
    vbuf = (val0, val1)
    lsem = (lsem0, lsem1)
    ssem = (ssem0, ssem1, ssem2)

    def start_loads(bu, bi, k):
        base = (k * W + wid) * CH
        pltpu.make_async_copy(u_hbm.at[pl.ds(base, CH)], ubuf[bu], lsem[bu]).start()
        pltpu.make_async_copy(wi_hbm.at[pl.ds(base, CH)], wibuf[bu], lsem[bu]).start()
        pltpu.make_async_copy(v_hbm.at[pl.ds(base, CH)], ibuf[bi], lsem[bu]).start()

    def wait_loads(bu, bi):
        pltpu.make_async_copy(u_hbm.at[pl.ds(0, CH)], ubuf[bu], lsem[bu]).wait()
        pltpu.make_async_copy(wi_hbm.at[pl.ds(0, CH)], wibuf[bu], lsem[bu]).wait()
        pltpu.make_async_copy(v_hbm.at[pl.ds(0, CH)], ibuf[bi], lsem[bu]).wait()

    def compute(bu, bv):
        @plsc.parallel_loop(0, CH, 16, unroll=4)
        def _(i):
            ui = ubuf[bu][pl.ds(i, 16)]
            wi = wibuf[bu][pl.ds(i, 16)]
            xg = plsc.load_gather(x_v, [ui])
            wg = plsc.load_gather(w_v, [wi])
            vbuf[bv][pl.ds(i, 16)] = xg * wg

    def fire_scatter(bv, bi):
        pltpu.make_async_copy(vbuf[bv], acc.at[ibuf[bi]], ssem[bi]).start(add=True)

    def drain_scatter(bv, bi):
        pltpu.make_async_copy(vbuf[bv], acc.at[ibuf[bi]], ssem[bi]).wait()

    pltpu.make_async_copy(x_hbm, x_v, ssem1).start()
    pltpu.make_async_copy(w_hbm, w_v, ssem1).start()
    start_loads(0, 0, jnp.int32(0))

    zv = jnp.zeros((16,), jnp.float32)

    @plsc.parallel_loop(0, CH, 16)
    def _(i):
        val0[pl.ds(i, 16)] = zv

    pltpu.make_async_copy(x_hbm, x_v, ssem1).wait()
    pltpu.make_async_copy(w_hbm, w_v, ssem1).wait()

    @pl.when(c == 0)
    def _():
        @pl.when(s < 15)
        def _():
            pltpu.sync_copy(x_v.at[pl.ds(s * SEG, SEG)],
                            acc.at[pl.ds(s * SEG, SEG)])

        @pl.when(s == 15)
        def _():
            pltpu.sync_copy(x_v.at[pl.ds(96000, 4000)],
                            acc.at[pl.ds(96000, 4000)])
            pltpu.sync_copy(val0.at[pl.ds(0, 2400)], acc.at[pl.ds(100000, 2400)])

    @pl.when(c == 1)
    def _():
        pltpu.sync_copy(val0, acc.at[pl.ds(s * SEG, CH)])
        pltpu.sync_copy(val0, acc.at[pl.ds(s * SEG + CH, CH)])
        pltpu.sync_copy(val0.at[pl.ds(0, 1280)], acc.at[pl.ds(s * SEG + 2 * CH, 1280)])

    plsc.subcore_barrier()

    for t in range(TPT // CH):
        pltpu.sync_copy(tgt_hbm.at[pl.ds(s * TPT + t * CH, CH)], idx2)
        pltpu.make_async_copy(val0, acc.at[idx2], ssem0).start()
        pltpu.make_async_copy(val0, acc.at[idx2], ssem0).wait()

    plsc.subcore_barrier()

    def valid(k):
        return (k >= 0) & (k * W + wid < NCHUNK)

    def six_body(it, carry):
        for j in range(6):
            k = 6 * it + j

            @pl.when(valid(k))
            def _():
                wait_loads(j % 2, j % 3)

            @pl.when(valid(k - 2))
            def _():
                drain_scatter(j % 2, (j + 1) % 3)

            @pl.when(valid(k + 1))
            def _():
                start_loads((j + 1) % 2, (j + 1) % 3, k + 1)

            @pl.when(valid(k))
            def _():
                compute(j % 2, j % 2)
                fire_scatter(j % 2, j % 3)

        return carry

    lax.fori_loop(0, KTOT, six_body, 0)

    plsc.subcore_barrier()

    pltpu.sync_copy(acc.at[pl.ds(s * SEG, SEG)], x_v.at[pl.ds(0, SEG)])

    @pl.when(c == 0)
    def _():
        pltpu.sync_copy(x_v.at[pl.ds(0, SEG)], out0.at[pl.ds(s * SEG, SEG)])

    @pl.when(c == 1)
    def _():
        pltpu.sync_copy(x_v.at[pl.ds(0, SEG)], out1.at[pl.ds(s * SEG, SEG)])


def _sc_scatter(xf, weights, u, v, w_idx, tgt1d):
    mesh = plsc.VectorSubcoreMesh(core_axis_name="c", subcore_axis_name="s",
                                  num_cores=NC, num_subcores=NS)
    return pl.kernel(
        _sc_body,
        out_type=(jax.ShapeDtypeStruct((NPAD,), jnp.float32),
                  jax.ShapeDtypeStruct((NPAD,), jnp.float32)),
        mesh=mesh,
        compiler_params=pltpu.CompilerParams(needs_layout_passes=False),
        scratch_types=[
            pltpu.VMEM((N,), jnp.float32),
            pltpu.VMEM((NWT,), jnp.float32),
            pltpu.VMEM((CH,), jnp.int32),
            pltpu.VMEM((CH,), jnp.int32),
            pltpu.VMEM((CH,), jnp.int32),
            pltpu.VMEM((CH,), jnp.int32),
            pltpu.VMEM((CH,), jnp.int32),
            pltpu.VMEM((CH,), jnp.int32),
            pltpu.VMEM((CH,), jnp.int32),
            pltpu.VMEM((CH,), jnp.float32),
            pltpu.VMEM((CH,), jnp.float32),
            pltpu.SemaphoreType.DMA,
            pltpu.SemaphoreType.DMA,
            pltpu.SemaphoreType.DMA,
            pltpu.SemaphoreType.DMA,
            pltpu.SemaphoreType.DMA,
            pltpu.VMEM_SHARED((NPAD,), jnp.float32),
        ],
    )(xf, weights, u, v, w_idx, tgt1d)


def _add_body(a_ref, b_ref, o_ref):
    o_ref[...] = a_ref[...] + b_ref[...]


def kernel(x, weights, u, v, w_idx, targets):
    xf = x.reshape(N)
    pad = N + jnp.arange(TT - NT, dtype=jnp.int32) % (NPAD - N)
    tgt1d = jnp.concatenate([targets, pad])
    acc0, acc1 = _sc_scatter(xf, weights, u, v, w_idx, tgt1d)
    out2d = pl.pallas_call(
        _add_body,
        out_shape=jax.ShapeDtypeStruct((NPAD // 128, 128), jnp.float32),
    )(acc0.reshape(NPAD // 128, 128), acc1.reshape(NPAD // 128, 128))
    return out2d.reshape(NPAD)[:N].reshape(N, 1)

# --- scband reference (transcript-rebuilt; emitter-appended) ---
"""Pipeline reference for scband-neura-logic-layer-55628416417928 (READ-ONLY COPY).

The authoritative reference and input builder live on the scoring server;
editing this copy changes nothing except your own understanding.
"""

import jax, jax.numpy as jnp
import numpy as np

N = 100000   # number of neurons (graph nodes)
E = 6400000  # number of edges (avg_degree=64)
NW = 1024    # number of scalar learnable weights (ParameterList)
NT = 50000   # number of target neurons zeroed before residual add

def setup_inputs(seed: int = 0):
    key = jax.random.key(seed)
    k1, k2, k3, k4, k5, k6 = jax.random.split(key, 6)
    x = jax.random.normal(k1, (N, 1), dtype=jnp.float32)          # initial neuron values
    weights = jax.random.uniform(k2, (NW,), dtype=jnp.float32)    # ParameterList of scalar weights
    u = jax.random.randint(k3, (E,), 0, N, dtype=jnp.int32)       # edge sources (layer.u)
    v = jax.random.randint(k4, (E,), 0, N, dtype=jnp.int32)       # edge destinations (layer.v)
    w_idx = jax.random.randint(k5, (E,), 0, NW, dtype=jnp.int32)  # per-edge weight index (layer.weights)
    targets = jax.random.randint(k6, (NT,), 0, N, dtype=jnp.int32)  # layer.targets
    return {"x": x, "weights": weights, "u": u, "v": v, "w_idx": w_idx, "targets": targets}

def reference(x, weights, u, v, w_idx, targets):
    # NeuraLogicHelperLayer.forward with reduce == 'Sum':
    # old_x = x.clone(); old_x[layer.targets] = 0
    old_x = x.at[targets].set(0.0)
    # message(edges): m_e = x[u_e] * weights[w_e]  (scalar weight gathered per edge)
    msg = jnp.take(x, u, axis=0) * jnp.take(weights, w_idx)[:, None]
    # fn.sum(msg='m', out='x'): scatter-add messages onto destination nodes
    agg = jnp.zeros((N, 1), dtype=x.dtype).at[v].add(msg)
    # return old_x + g.ndata['x']
    out = old_x + agg
    return out

if __name__ == "__main__":
    import jax
    _d = setup_inputs()
    print(jax.jit(kernel)(*tuple(_d.values())))

</pallas_src>

<mosaic_0001>
#map = affine_map<(d0, d1) -> (0)>
module attributes {stable_mosaic.version = 14 : i64} {
  func.func @_sc_body(%arg0: i32, %arg1: i32, %arg2: memref<100000xf32, #tpu.memory_space<hbm>>, %arg3: memref<1024xf32, #tpu.memory_space<hbm>>, %arg4: memref<6400000xi32, #tpu.memory_space<hbm>>, %arg5: memref<6400000xi32, #tpu.memory_space<hbm>>, %arg6: memref<6400000xi32, #tpu.memory_space<hbm>>, %arg7: memref<81920xi32, #tpu.memory_space<hbm>>, %arg8: memref<102400xf32, #tpu.memory_space<hbm>>, %arg9: memref<102400xf32, #tpu.memory_space<hbm>>, %arg10: memref<100000xf32, #tpu.memory_space<vmem>>, %arg11: memref<1024xf32, #tpu.memory_space<vmem>>, %arg12: memref<2560xi32, #tpu.memory_space<vmem>>, %arg13: memref<2560xi32, #tpu.memory_space<vmem>>, %arg14: memref<2560xi32, #tpu.memory_space<vmem>>, %arg15: memref<2560xi32, #tpu.memory_space<vmem>>, %arg16: memref<2560xi32, #tpu.memory_space<vmem>>, %arg17: memref<2560xi32, #tpu.memory_space<vmem>>, %arg18: memref<2560xi32, #tpu.memory_space<vmem>>, %arg19: memref<2560xf32, #tpu.memory_space<vmem>>, %arg20: memref<2560xf32, #tpu.memory_space<vmem>>, %arg21: memref<!tpu.dma_semaphore, #tpu.memory_space<semaphore_mem>>, %arg22: memref<!tpu.dma_semaphore, #tpu.memory_space<semaphore_mem>>, %arg23: memref<!tpu.dma_semaphore, #tpu.memory_space<semaphore_mem>>, %arg24: memref<!tpu.dma_semaphore, #tpu.memory_space<semaphore_mem>>, %arg25: memref<!tpu.dma_semaphore, #tpu.memory_space<semaphore_mem>>, %arg26: memref<102400xf32, #tpu.memory_space<vmem_shared>>) attributes {dimension_semantics = [#tpu.dimension_semantics<core_parallel>, #tpu.dimension_semantics<subcore_parallel>], iteration_bounds = array<i64: 2, 16>, scalar_prefetch = 0 : i64, scratch_operands = 17 : i64, tpu.core_type = #tpu.core_type<sc_vector_subcore>, window_params = [{transform_indices = #map}, {transform_indices = #map}, {transform_indices = #map}, {transform_indices = #map}, {transform_indices = #map}, {transform_indices = #map}, {transform_indices = #map}, {transform_indices = #map}]} {
    %mul3A = arith.constant 16 : i32
    %mul3A_0 = arith.muli %arg0, %mul3A : i32
    %add3A = arith.addi %mul3A_0, %arg1 : i32
    tpu.enqueue_dma source(%arg2 : memref<100000xf32, #tpu.memory_space<hbm>>) target(%arg10 : memref<100000xf32, #tpu.memory_space<vmem>>) target_semaphore(%arg24 : memref<!tpu.dma_semaphore, #tpu.memory_space<semaphore_mem>>)
    tpu.enqueue_dma source(%arg3 : memref<1024xf32, #tpu.memory_space<hbm>>) target(%arg11 : memref<1024xf32, #tpu.memory_space<vmem>>) target_semaphore(%arg24 : memref<!tpu.dma_semaphore, #tpu.memory_space<semaphore_mem>>)
    %mul3A_1 = arith.constant 0 : i32
    %mul3A_2 = arith.constant 32 : i32
    %mul3A_3 = arith.muli %mul3A_1, %mul3A_2 : i32
    %add3A_4 = arith.addi %mul3A_3, %add3A : i32
    %mul3A_5 = arith.constant 2560 : i32
    %mul3A_6 = arith.muli %add3A_4, %mul3A_5 : i32
    %dma_start3A = tpu.memref_slice %arg4[%mul3A_6] : memref<6400000xi32, #tpu.memory_space<hbm>> -> memref<2560xi32, #tpu.memory_space<hbm>>
    %dma_start3A_7 = tpu.memref_slice %arg4[%mul3A_6] : memref<6400000xi32, #tpu.memory_space<hbm>> -> memref<2560xi32, #tpu.memory_space<hbm>>
    tpu.enqueue_dma source(%dma_start3A_7 : memref<2560xi32, #tpu.memory_space<hbm>>) target(%arg12 : memref<2560xi32, #tpu.memory_space<vmem>>) target_semaphore(%arg21 : memref<!tpu.dma_semaphore, #tpu.memory_space<semaphore_mem>>)
    %dma_start3A_8 = tpu.memref_slice %arg6[%mul3A_6] : memref<6400000xi32, #tpu.memory_space<hbm>> -> memref<2560xi32, #tpu.memory_space<hbm>>
    %dma_start3A_9 = tpu.memref_slice %arg6[%mul3A_6] : memref<6400000xi32, #tpu.memory_space<hbm>> -> memref<2560xi32, #tpu.memory_space<hbm>>
    tpu.enqueue_dma source(%dma_start3A_9 : memref<2560xi32, #tpu.memory_space<hbm>>) target(%arg14 : memref<2560xi32, #tpu.memory_space<vmem>>) target_semaphore(%arg21 : memref<!tpu.dma_semaphore, #tpu.memory_space<semaphore_mem>>)
    %dma_start3A_10 = tpu.memref_slice %arg5[%mul3A_6] : memref<6400000xi32, #tpu.memory_space<hbm>> -> memref<2560xi32, #tpu.memory_space<hbm>>
    %dma_start3A_11 = tpu.memref_slice %arg5[%mul3A_6] : memref<6400000xi32, #tpu.memory_space<hbm>> -> memref<2560xi32, #tpu.memory_space<hbm>>
    tpu.enqueue_dma source(%dma_start3A_11 : memref<2560xi32, #tpu.memory_space<hbm>>) target(%arg16 : memref<2560xi32, #tpu.memory_space<vmem>>) target_semaphore(%arg21 : memref<!tpu.dma_semaphore, #tpu.memory_space<semaphore_mem>>)
    %broadcast_in_dim3A = arith.constant 0.000000e+00 : f32
    %broadcast_in_dim3A_12 = vector.broadcast %broadcast_in_dim3A : f32 to vector<16xf32>
    %parallel_loop3A = arith.constant 0 : i32
    %parallel_loop3A_13 = arith.constant 2560 : i32
    %parallel_loop3A_14 = arith.constant 16 : i32
    scf.for %parallel_loop3A_56 = %parallel_loop3A to %parallel_loop3A_13 step %parallel_loop3A_14  : i32 {
      %parallel_loop3A_57 = arith.index_cast %parallel_loop3A_56 : i32 to index
      %parallel_loop3A_58 = tpu.vector_load %arg19[%parallel_loop3A_57] {strides = array<i32>} : memref<2560xf32, #tpu.memory_space<vmem>>, vector<16xf32>,
      tpu.vector_store %arg19[%parallel_loop3A_57], %broadcast_in_dim3A_12 {strides = array<i32>} : memref<2560xf32, #tpu.memory_space<vmem>>, vector<16xf32>,
    } {sc.loop_unroll_factor = 1 : i64, sc.parallel_access}
    tpu.wait_dma2 semaphore(%arg24 : memref<!tpu.dma_semaphore, #tpu.memory_space<semaphore_mem>>) src(%arg2 : memref<100000xf32, #tpu.memory_space<hbm>>) dst(%arg10 : memref<100000xf32, #tpu.memory_space<vmem>>)
    tpu.wait_dma2 semaphore(%arg24 : memref<!tpu.dma_semaphore, #tpu.memory_space<semaphore_mem>>) src(%arg3 : memref<1024xf32, #tpu.memory_space<hbm>>) dst(%arg11 : memref<1024xf32, #tpu.memory_space<vmem>>)
    %eq3A = arith.constant 0 : i32
    %eq3A_15 = arith.cmpi eq, %arg0, %eq3A : i32
    %convert_element_type3A = arith.extui %eq3A_15 : i1 to i32
    %cond3A = arith.constant 0 : i32
    %cond3A_16 = arith.cmpi ne, %convert_element_type3A, %cond3A : i32
    scf.if %cond3A_16 {
      %lt3A = arith.constant 15 : i32
      %lt3A_56 = arith.cmpi slt, %arg1, %lt3A : i32
      %convert_element_type3A_57 = arith.extui %lt3A_56 : i1 to i32
      %cond3A_58 = arith.constant 0 : i32
      %cond3A_59 = arith.cmpi ne, %convert_element_type3A_57, %cond3A_58 : i32
      scf.if %cond3A_59 {
        %mul3A_65 = arith.constant 6400 : i32
        %mul3A_66 = arith.muli %arg1, %mul3A_65 : i32
        %mul3A_67 = arith.constant 6400 : i32
        %mul3A_68 = arith.muli %arg1, %mul3A_67 : i32
        "tpu.region"() ({
          %run_scoped3A = tpu.sem_alloc : memref<!tpu.dma_semaphore, #tpu.memory_space<semaphore_mem>>
          %dma_start3A_69 = tpu.memref_slice %arg10[%mul3A_66] : memref<100000xf32, #tpu.memory_space<vmem>> -> memref<6400xf32, #tpu.memory_space<vmem>>
          %dma_start3A_70 = tpu.memref_slice %arg26[%mul3A_68] : memref<102400xf32, #tpu.memory_space<vmem_shared>> -> memref<6400xf32, #tpu.memory_space<vmem_shared>>
          %dma_start3A_71 = tpu.memref_slice %arg26[%mul3A_68] : memref<102400xf32, #tpu.memory_space<vmem_shared>> -> memref<6400xf32, #tpu.memory_space<vmem_shared>>
          %dma_start3A_72 = tpu.memref_slice %arg10[%mul3A_66] : memref<100000xf32, #tpu.memory_space<vmem>> -> memref<6400xf32, #tpu.memory_space<vmem>>
          tpu.enqueue_dma source(%dma_start3A_72 : memref<6400xf32, #tpu.memory_space<vmem>>) target(%dma_start3A_71 : memref<6400xf32, #tpu.memory_space<vmem_shared>>) target_semaphore(%run_scoped3A : memref<!tpu.dma_semaphore, #tpu.memory_space<semaphore_mem>>)
          %dma_wait3A_73 = tpu.memref_slice %arg10[%mul3A_66] : memref<100000xf32, #tpu.memory_space<vmem>> -> memref<6400xf32, #tpu.memory_space<vmem>>
          %dma_wait3A_74 = tpu.memref_slice %arg26[%mul3A_68] : memref<102400xf32, #tpu.memory_space<vmem_shared>> -> memref<6400xf32, #tpu.memory_space<vmem_shared>>
          %dma_wait3A_75 = tpu.memref_slice %arg26[%mul3A_68] : memref<102400xf32, #tpu.memory_space<vmem_shared>> -> memref<6400xf32, #tpu.memory_space<vmem_shared>>
          %dma_wait3A_76 = tpu.memref_slice %arg10[%mul3A_66] : memref<100000xf32, #tpu.memory_space<vmem>> -> memref<6400xf32, #tpu.memory_space<vmem>>
          tpu.wait_dma2 semaphore(%run_scoped3A : memref<!tpu.dma_semaphore, #tpu.memory_space<semaphore_mem>>) src(%dma_wait3A_76 : memref<6400xf32, #tpu.memory_space<vmem>>) dst(%dma_wait3A_75 : memref<6400xf32, #tpu.memory_space<vmem_shared>>)
          tpu.yield
        }) : () -> ()
      } else {
      }
      %eq3A_60 = arith.constant 15 : i32
      %eq3A_61 = arith.cmpi eq, %arg1, %eq3A_60 : i32
      %convert_element_type3A_62 = arith.extui %eq3A_61 : i1 to i32
      %cond3A_63 = arith.constant 0 : i32
      %cond3A_64 = arith.cmpi ne, %convert_element_type3A_62, %cond3A_63 : i32
      scf.if %cond3A_64 {
        "tpu.region"() ({
          %run_scoped3A = tpu.sem_alloc : memref<!tpu.dma_semaphore, #tpu.memory_space<semaphore_mem>>
          %dma_start3A_65 = arith.constant 96000 : i32
          %dma_start3A_66 = tpu.memref_slice %arg10[%dma_start3A_65] : memref<100000xf32, #tpu.memory_space<vmem>> -> memref<4000xf32, #tpu.memory_space<vmem>>
          %dma_start3A_67 = arith.constant 96000 : i32
          %dma_start3A_68 = tpu.memref_slice %arg26[%dma_start3A_67] : memref<102400xf32, #tpu.memory_space<vmem_shared>> -> memref<4000xf32, #tpu.memory_space<vmem_shared>>
          %dma_start3A_69 = arith.constant 96000 : i32
          %dma_start3A_70 = tpu.memref_slice %arg26[%dma_start3A_69] : memref<102400xf32, #tpu.memory_space<vmem_shared>> -> memref<4000xf32, #tpu.memory_space<vmem_shared>>
          %dma_start3A_71 = arith.constant 96000 : i32
          %dma_start3A_72 = tpu.memref_slice %arg10[%dma_start3A_71] : memref<100000xf32, #tpu.memory_space<vmem>> -> memref<4000xf32, #tpu.memory_space<vmem>>
          tpu.enqueue_dma source(%dma_start3A_72 : memref<4000xf32, #tpu.memory_space<vmem>>) target(%dma_start3A_70 : memref<4000xf32, #tpu.memory_space<vmem_shared>>) target_semaphore(%run_scoped3A : memref<!tpu.dma_semaphore, #tpu.memory_space<semaphore_mem>>)
          %dma_wait3A_73 = arith.constant 96000 : i32
          %dma_wait3A_74 = tpu.memref_slice %arg10[%dma_wait3A_73] : memref<100000xf32, #tpu.memory_space<vmem>> -> memref<4000xf32, #tpu.memory_space<vmem>>
          %dma_wait3A_75 = arith.constant 96000 : i32
          %dma_wait3A_76 = tpu.memref_slice %arg26[%dma_wait3A_75] : memref<102400xf32, #tpu.memory_space<vmem_shared>> -> memref<4000xf32, #tpu.memory_space<vmem_shared>>
          %dma_wait3A_77 = arith.constant 96000 : i32
          %dma_wait3A_78 = tpu.memref_slice %arg26[%dma_wait3A_77] : memref<102400xf32, #tpu.memory_space<vmem_shared>> -> memref<4000xf32, #tpu.memory_space<vmem_shared>>
          %dma_wait3A_79 = arith.constant 96000 : i32
          %dma_wait3A_80 = tpu.memref_slice %arg10[%dma_wait3A_79] : memref<100000xf32, #tpu.memory_space<vmem>> -> memref<4000xf32, #tpu.memory_space<vmem>>
          tpu.wait_dma2 semaphore(%run_scoped3A : memref<!tpu.dma_semaphore, #tpu.memory_space<semaphore_mem>>) src(%dma_wait3A_80 : memref<4000xf32, #tpu.memory_space<vmem>>) dst(%dma_wait3A_78 : memref<4000xf32, #tpu.memory_space<vmem_shared>>)
          tpu.yield
        }) : () -> ()
        "tpu.region"() ({
          %run_scoped3A = tpu.sem_alloc : memref<!tpu.dma_semaphore, #tpu.memory_space<semaphore_mem>>
          %dma_start3A_65 = arith.constant 0 : i32
          %dma_start3A_66 = tpu.memref_slice %arg19[%dma_start3A_65] : memref<2560xf32, #tpu.memory_space<vmem>> -> memref<2400xf32, #tpu.memory_space<vmem>>
          %dma_start3A_67 = arith.constant 100000 : i32
          %dma_start3A_68 = tpu.memref_slice %arg26[%dma_start3A_67] : memref<102400xf32, #tpu.memory_space<vmem_shared>> -> memref<2400xf32, #tpu.memory_space<vmem_shared>>
          %dma_start3A_69 = arith.constant 100000 : i32
          %dma_start3A_70 = tpu.memref_slice %arg26[%dma_start3A_69] : memref<102400xf32, #tpu.memory_space<vmem_shared>> -> memref<2400xf32, #tpu.memory_space<vmem_shared>>
          %dma_start3A_71 = arith.constant 0 : i32
          %dma_start3A_72 = tpu.memref_slice %arg19[%dma_start3A_71] : memref<2560xf32, #tpu.memory_space<vmem>> -> memref<2400xf32, #tpu.memory_space<vmem>>
          tpu.enqueue_dma source(%dma_start3A_72 : memref<2400xf32, #tpu.memory_space<vmem>>) target(%dma_start3A_70 : memref<2400xf32, #tpu.memory_space<vmem_shared>>) target_semaphore(%run_scoped3A : memref<!tpu.dma_semaphore, #tpu.memory_space<semaphore_mem>>)
          %dma_wait3A_73 = arith.constant 0 : i32
          %dma_wait3A_74 = tpu.memref_slice %arg19[%dma_wait3A_73] : memref<2560xf32, #tpu.memory_space<vmem>> -> memref<2400xf32, #tpu.memory_space<vmem>>
          %dma_wait3A_75 = arith.constant 100000 : i32
          %dma_wait3A_76 = tpu.memref_slice %arg26[%dma_wait3A_75] : memref<102400xf32, #tpu.memory_space<vmem_shared>> -> memref<2400xf32, #tpu.memory_space<vmem_shared>>
          %dma_wait3A_77 = arith.constant 100000 : i32
          %dma_wait3A_78 = tpu.memref_slice %arg26[%dma_wait3A_77] : memref<102400xf32, #tpu.memory_space<vmem_shared>> -> memref<2400xf32, #tpu.memory_space<vmem_shared>>
          %dma_wait3A_79 = arith.constant 0 : i32
          %dma_wait3A_80 = tpu.memref_slice %arg19[%dma_wait3A_79] : memref<2560xf32, #tpu.memory_space<vmem>> -> memref<2400xf32, #tpu.memory_space<vmem>>
          tpu.wait_dma2 semaphore(%run_scoped3A : memref<!tpu.dma_semaphore, #tpu.memory_space<semaphore_mem>>) src(%dma_wait3A_80 : memref<2400xf32, #tpu.memory_space<vmem>>) dst(%dma_wait3A_78 : memref<2400xf32, #tpu.memory_space<vmem_shared>>)
          tpu.yield
        }) : () -> ()
      } else {
      }
    } else {
    }
    %eq3A_17 = arith.constant 1 : i32
    %eq3A_18 = arith.cmpi eq, %arg0, %eq3A_17 : i32
    %convert_element_type3A_19 = arith.extui %eq3A_18 : i1 to i32
    %cond3A_20 = arith.constant 0 : i32
    %cond3A_21 = arith.cmpi ne, %convert_element_type3A_19, %cond3A_20 : i32
    scf.if %cond3A_21 {
      %mul3A_56 = arith.constant 6400 : i32
      %mul3A_57 = arith.muli %arg1, %mul3A_56 : i32
      "tpu.region"() ({
        %run_scoped3A = tpu.sem_alloc : memref<!tpu.dma_semaphore, #tpu.memory_space<semaphore_mem>>
        %dma_start3A_66 = tpu.memref_slice %arg26[%mul3A_57] : memref<102400xf32, #tpu.memory_space<vmem_shared>> -> memref<2560xf32, #tpu.memory_space<vmem_shared>>
        %dma_start3A_67 = tpu.memref_slice %arg26[%mul3A_57] : memref<102400xf32, #tpu.memory_space<vmem_shared>> -> memref<2560xf32, #tpu.memory_space<vmem_shared>>
        tpu.enqueue_dma source(%arg19 : memref<2560xf32, #tpu.memory_space<vmem>>) target(%dma_start3A_67 : memref<2560xf32, #tpu.memory_space<vmem_shared>>) target_semaphore(%run_scoped3A : memref<!tpu.dma_semaphore, #tpu.memory_space<semaphore_mem>>)
        %dma_wait3A_68 = tpu.memref_slice %arg26[%mul3A_57] : memref<102400xf32, #tpu.memory_space<vmem_shared>> -> memref<2560xf32, #tpu.memory_space<vmem_shared>>
        %dma_wait3A_69 = tpu.memref_slice %arg26[%mul3A_57] : memref<102400xf32, #tpu.memory_space<vmem_shared>> -> memref<2560xf32, #tpu.memory_space<vmem_shared>>
        tpu.wait_dma2 semaphore(%run_scoped3A : memref<!tpu.dma_semaphore, #tpu.memory_space<semaphore_mem>>) src(%arg19 : memref<2560xf32, #tpu.memory_space<vmem>>) dst(%dma_wait3A_69 : memref<2560xf32, #tpu.memory_space<vmem_shared>>)
        tpu.yield
      }) : () -> ()
      %mul3A_58 = arith.constant 6400 : i32
      %mul3A_59 = arith.muli %arg1, %mul3A_58 : i32
      %add3A_60 = arith.constant 2560 : i32
      %add3A_61 = arith.addi %mul3A_59, %add3A_60 : i32
      "tpu.region"() ({
        %run_scoped3A = tpu.sem_alloc : memref<!tpu.dma_semaphore, #tpu.memory_space<semaphore_mem>>
        %dma_start3A_66 = tpu.memref_slice %arg26[%add3A_61] : memref<102400xf32, #tpu.memory_space<vmem_shared>> -> memref<2560xf32, #tpu.memory_space<vmem_shared>>
        %dma_start3A_67 = tpu.memref_slice %arg26[%add3A_61] : memref<102400xf32, #tpu.memory_space<vmem_shared>> -> memref<2560xf32, #tpu.memory_space<vmem_shared>>
        tpu.enqueue_dma source(%arg19 : memref<2560xf32, #tpu.memory_space<vmem>>) target(%dma_start3A_67 : memref<2560xf32, #tpu.memory_space<vmem_shared>>) target_semaphore(%run_scoped3A : memref<!tpu.dma_semaphore, #tpu.memory_space<semaphore_mem>>)
        %dma_wait3A_68 = tpu.memref_slice %arg26[%add3A_61] : memref<102400xf32, #tpu.memory_space<vmem_shared>> -> memref<2560xf32, #tpu.memory_space<vmem_shared>>
        %dma_wait3A_69 = tpu.memref_slice %arg26[%add3A_61] : memref<102400xf32, #tpu.memory_space<vmem_shared>> -> memref<2560xf32, #tpu.memory_space<vmem_shared>>
        tpu.wait_dma2 semaphore(%run_scoped3A : memref<!tpu.dma_semaphore, #tpu.memory_space<semaphore_mem>>) src(%arg19 : memref<2560xf32, #tpu.memory_space<vmem>>) dst(%dma_wait3A_69 : memref<2560xf32, #tpu.memory_space<vmem_shared>>)
        tpu.yield
      }) : () -> ()
      %mul3A_62 = arith.constant 6400 : i32
      %mul3A_63 = arith.muli %arg1, %mul3A_62 : i32
      %add3A_64 = arith.constant 5120 : i32
      %add3A_65 = arith.addi %mul3A_63, %add3A_64 : i32
      "tpu.region"() ({
        %run_scoped3A = tpu.sem_alloc : memref<!tpu.dma_semaphore, #tpu.memory_space<semaphore_mem>>
        %dma_start3A_66 = arith.constant 0 : i32
        %dma_start3A_67 = tpu.memref_slice %arg19[%dma_start3A_66] : memref<2560xf32, #tpu.memory_space<vmem>> -> memref<1280xf32, #tpu.memory_space<vmem>>
        %dma_start3A_68 = tpu.memref_slice %arg26[%add3A_65] : memref<102400xf32, #tpu.memory_space<vmem_shared>> -> memref<1280xf32, #tpu.memory_space<vmem_shared>>
        %dma_start3A_69 = tpu.memref_slice %arg26[%add3A_65] : memref<102400xf32, #tpu.memory_space<vmem_shared>> -> memref<1280xf32, #tpu.memory_space<vmem_shared>>
        %dma_start3A_70 = arith.constant 0 : i32
        %dma_start3A_71 = tpu.memref_slice %arg19[%dma_start3A_70] : memref<2560xf32, #tpu.memory_space<vmem>> -> memref<1280xf32, #tpu.memory_space<vmem>>
        tpu.enqueue_dma source(%dma_start3A_71 : memref<1280xf32, #tpu.memory_space<vmem>>) target(%dma_start3A_69 : memref<1280xf32, #tpu.memory_space<vmem_shared>>) target_semaphore(%run_scoped3A : memref<!tpu.dma_semaphore, #tpu.memory_space<semaphore_mem>>)
        %dma_wait3A_72 = arith.constant 0 : i32
        %dma_wait3A_73 = tpu.memref_slice %arg19[%dma_wait3A_72] : memref<2560xf32, #tpu.memory_space<vmem>> -> memref<1280xf32, #tpu.memory_space<vmem>>
        %dma_wait3A_74 = tpu.memref_slice %arg26[%add3A_65] : memref<102400xf32, #tpu.memory_space<vmem_shared>> -> memref<1280xf32, #tpu.memory_space<vmem_shared>>
        %dma_wait3A_75 = tpu.memref_slice %arg26[%add3A_65] : memref<102400xf32, #tpu.memory_space<vmem_shared>> -> memref<1280xf32, #tpu.memory_space<vmem_shared>>
        %dma_wait3A_76 = arith.constant 0 : i32
        %dma_wait3A_77 = tpu.memref_slice %arg19[%dma_wait3A_76] : memref<2560xf32, #tpu.memory_space<vmem>> -> memref<1280xf32, #tpu.memory_space<vmem>>
        tpu.wait_dma2 semaphore(%run_scoped3A : memref<!tpu.dma_semaphore, #tpu.memory_space<semaphore_mem>>) src(%dma_wait3A_77 : memref<1280xf32, #tpu.memory_space<vmem>>) dst(%dma_wait3A_75 : memref<1280xf32, #tpu.memory_space<vmem_shared>>)
        tpu.yield
      }) : () -> ()
    } else {
    }
    %barrier3A = arith.constant 0 : index
    tpu.barrier barrier_id(%barrier3A)
    %mul3A_22 = arith.constant 5120 : i32
    %mul3A_23 = arith.muli %arg1, %mul3A_22 : i32
    %add3A_24 = arith.constant 0 : i32
    %add3A_25 = arith.addi %mul3A_23, %add3A_24 : i32
    "tpu.region"() ({
      %run_scoped3A = tpu.sem_alloc : memref<!tpu.dma_semaphore, #tpu.memory_space<semaphore_mem>>
      %dma_start3A_56 = tpu.memref_slice %arg7[%add3A_25] : memref<81920xi32, #tpu.memory_space<hbm>> -> memref<2560xi32, #tpu.memory_space<hbm>>
      %dma_start3A_57 = tpu.memref_slice %arg7[%add3A_25] : memref<81920xi32, #tpu.memory_space<hbm>> -> memref<2560xi32, #tpu.memory_space<hbm>>
      tpu.enqueue_dma source(%dma_start3A_57 : memref<2560xi32, #tpu.memory_space<hbm>>) target(%arg18 : memref<2560xi32, #tpu.memory_space<vmem>>) target_semaphore(%run_scoped3A : memref<!tpu.dma_semaphore, #tpu.memory_space<semaphore_mem>>)
      %dma_wait3A_58 = tpu.memref_slice %arg7[%add3A_25] : memref<81920xi32, #tpu.memory_space<hbm>> -> memref<2560xi32, #tpu.memory_space<hbm>>
      %dma_wait3A_59 = tpu.memref_slice %arg7[%add3A_25] : memref<81920xi32, #tpu.memory_space<hbm>> -> memref<2560xi32, #tpu.memory_space<hbm>>
      tpu.wait_dma2 semaphore(%run_scoped3A : memref<!tpu.dma_semaphore, #tpu.memory_space<semaphore_mem>>) src(%dma_wait3A_59 : memref<2560xi32, #tpu.memory_space<hbm>>) dst(%arg18 : memref<2560xi32, #tpu.memory_space<vmem>>)
      tpu.yield
    }) : () -> ()
    %dma_start3A_26 = arith.constant 0 : i32
    %dma_start3A_27 = tpu.memref_slice %arg26[%dma_start3A_26] : memref<102400xf32, #tpu.memory_space<vmem_shared>> -> memref<102400xf32, #tpu.memory_space<vmem_shared>>
    tpu.enqueue_indirect_dma source(%arg19 : memref<2560xf32, #tpu.memory_space<vmem>>) target(%dma_start3A_27 : memref<102400xf32, #tpu.memory_space<vmem_shared>>) offsets(%arg18 : memref<2560xi32, #tpu.memory_space<vmem>>) semaphore(%arg23 : memref<!tpu.dma_semaphore, #tpu.memory_space<semaphore_mem>>)
    %dma_wait3A = arith.constant 0 : i32
    %dma_wait3A_28 = tpu.memref_slice %arg26[%dma_wait3A] : memref<102400xf32, #tpu.memory_space<vmem_shared>> -> memref<102400xf32, #tpu.memory_space<vmem_shared>>
    tpu.wait_indirect_dma semaphore(%arg23 : memref<!tpu.dma_semaphore, #tpu.memory_space<semaphore_mem>>) src(%arg19 : memref<2560xf32, #tpu.memory_space<vmem>>) dst(%dma_wait3A_28 : memref<102400xf32, #tpu.memory_space<vmem_shared>>)
    %mul3A_29 = arith.constant 5120 : i32
    %mul3A_30 = arith.muli %arg1, %mul3A_29 : i32
    %add3A_31 = arith.constant 2560 : i32
    %add3A_32 = arith.addi %mul3A_30, %add3A_31 : i32
    "tpu.region"() ({
      %run_scoped3A = tpu.sem_alloc : memref<!tpu.dma_semaphore, #tpu.memory_space<semaphore_mem>>
      %dma_start3A_56 = tpu.memref_slice %arg7[%add3A_32] : memref<81920xi32, #tpu.memory_space<hbm>> -> memref<2560xi32, #tpu.memory_space<hbm>>
      %dma_start3A_57 = tpu.memref_slice %arg7[%add3A_32] : memref<81920xi32, #tpu.memory_space<hbm>> -> memref<2560xi32, #tpu.memory_space<hbm>>
      tpu.enqueue_dma source(%dma_start3A_57 : memref<2560xi32, #tpu.memory_space<hbm>>) target(%arg18 : memref<2560xi32, #tpu.memory_space<vmem>>) target_semaphore(%run_scoped3A : memref<!tpu.dma_semaphore, #tpu.memory_space<semaphore_mem>>)
      %dma_wait3A_58 = tpu.memref_slice %arg7[%add3A_32] : memref<81920xi32, #tpu.memory_space<hbm>> -> memref<2560xi32, #tpu.memory_space<hbm>>
      %dma_wait3A_59 = tpu.memref_slice %arg7[%add3A_32] : memref<81920xi32, #tpu.memory_space<hbm>> -> memref<2560xi32, #tpu.memory_space<hbm>>
      tpu.wait_dma2 semaphore(%run_scoped3A : memref<!tpu.dma_semaphore, #tpu.memory_space<semaphore_mem>>) src(%dma_wait3A_59 : memref<2560xi32, #tpu.memory_space<hbm>>) dst(%arg18 : memref<2560xi32, #tpu.memory_space<vmem>>)
      tpu.yield
    }) : () -> ()
    %dma_start3A_33 = arith.constant 0 : i32
    %dma_start3A_34 = tpu.memref_slice %arg26[%dma_start3A_33] : memref<102400xf32, #tpu.memory_space<vmem_shared>> -> memref<102400xf32, #tpu.memory_space<vmem_shared>>
    tpu.enqueue_indirect_dma source(%arg19 : memref<2560xf32, #tpu.memory_space<vmem>>) target(%dma_start3A_34 : memref<102400xf32, #tpu.memory_space<vmem_shared>>) offsets(%arg18 : memref<2560xi32, #tpu.memory_space<vmem>>) semaphore(%arg23 : memref<!tpu.dma_semaphore, #tpu.memory_space<semaphore_mem>>)
    %dma_wait3A_35 = arith.constant 0 : i32
    %dma_wait3A_36 = tpu.memref_slice %arg26[%dma_wait3A_35] : memref<102400xf32, #tpu.memory_space<vmem_shared>> -> memref<102400xf32, #tpu.memory_space<vmem_shared>>
    tpu.wait_indirect_dma semaphore(%arg23 : memref<!tpu.dma_semaphore, #tpu.memory_space<semaphore_mem>>) src(%arg19 : memref<2560xf32, #tpu.memory_space<vmem>>) dst(%dma_wait3A_36 : memref<102400xf32, #tpu.memory_space<vmem_shared>>)
    %barrier3A_37 = arith.constant 0 : index
    tpu.barrier barrier_id(%barrier3A_37)
    %scan3A = arith.constant 0 : i32
    %scan3A_38 = arith.constant 0 : i32
    %scan3A_39 = arith.constant 14 : i32
    %scan3A_40 = arith.addi %scan3A_38, %scan3A_39 : i32
    %scan3A_41 = arith.constant 1 : i32
    scf.for %scan3A_56 = %scan3A_38 to %scan3A_40 step %scan3A_41  : i32 {
      %mul3A_57 = arith.constant 6 : i32
      %mul3A_58 = arith.muli %mul3A_57, %scan3A_56 : i32
      %add3A_59 = arith.constant 0 : i32
      %add3A_60 = arith.addi %mul3A_58, %add3A_59 : i32
      %ge3A = arith.constant 0 : i32
      %ge3A_61 = arith.cmpi sge, %add3A_60, %ge3A : i32
      %mul3A_62 = arith.constant 32 : i32
      %mul3A_63 = arith.muli %add3A_60, %mul3A_62 : i32
      %add3A_64 = arith.addi %mul3A_63, %add3A : i32
      %lt3A = arith.constant 2500 : i32
      %lt3A_65 = arith.cmpi slt, %add3A_64, %lt3A : i32
      %and3A = arith.andi %ge3A_61, %lt3A_65 : i1
      %convert_element_type3A_66 = arith.extui %and3A : i1 to i32
      %cond3A_67 = arith.constant 0 : i32
      %cond3A_68 = arith.cmpi ne, %convert_element_type3A_66, %cond3A_67 : i32
      scf.if %cond3A_68 {
        %dma_wait3A_365 = arith.constant 0 : i32
        %dma_wait3A_366 = tpu.memref_slice %arg4[%dma_wait3A_365] : memref<6400000xi32, #tpu.memory_space<hbm>> -> memref<2560xi32, #tpu.memory_space<hbm>>
        %dma_wait3A_367 = arith.constant 0 : i32
        %dma_wait3A_368 = tpu.memref_slice %arg4[%dma_wait3A_367] : memref<6400000xi32, #tpu.memory_space<hbm>> -> memref<2560xi32, #tpu.memory_space<hbm>>
        tpu.wait_dma2 semaphore(%arg21 : memref<!tpu.dma_semaphore, #tpu.memory_space<semaphore_mem>>) src(%dma_wait3A_368 : memref<2560xi32, #tpu.memory_space<hbm>>) dst(%arg12 : memref<2560xi32, #tpu.memory_space<vmem>>)
        %dma_wait3A_369 = arith.constant 0 : i32
        %dma_wait3A_370 = tpu.memref_slice %arg6[%dma_wait3A_369] : memref<6400000xi32, #tpu.memory_space<hbm>> -> memref<2560xi32, #tpu.memory_space<hbm>>
        %dma_wait3A_371 = arith.constant 0 : i32
        %dma_wait3A_372 = tpu.memref_slice %arg6[%dma_wait3A_371] : memref<6400000xi32, #tpu.memory_space<hbm>> -> memref<2560xi32, #tpu.memory_space<hbm>>
        tpu.wait_dma2 semaphore(%arg21 : memref<!tpu.dma_semaphore, #tpu.memory_space<semaphore_mem>>) src(%dma_wait3A_372 : memref<2560xi32, #tpu.memory_space<hbm>>) dst(%arg14 : memref<2560xi32, #tpu.memory_space<vmem>>)
        %dma_wait3A_373 = arith.constant 0 : i32
        %dma_wait3A_374 = tpu.memref_slice %arg5[%dma_wait3A_373] : memref<6400000xi32, #tpu.memory_space<hbm>> -> memref<2560xi32, #tpu.memory_space<hbm>>
        %dma_wait3A_375 = arith.constant 0 : i32
        %dma_wait3A_376 = tpu.memref_slice %arg5[%dma_wait3A_375] : memref<6400000xi32, #tpu.memory_space<hbm>> -> memref<2560xi32, #tpu.memory_space<hbm>>
        tpu.wait_dma2 semaphore(%arg21 : memref<!tpu.dma_semaphore, #tpu.memory_space<semaphore_mem>>) src(%dma_wait3A_376 : memref<2560xi32, #tpu.memory_space<hbm>>) dst(%arg16 : memref<2560xi32, #tpu.memory_space<vmem>>)
      } else {
      }
      %sub3A = arith.constant 2 : i32
      %sub3A_69 = arith.subi %add3A_60, %sub3A : i32
      %ge3A_70 = arith.constant 0 : i32
      %ge3A_71 = arith.cmpi sge, %sub3A_69, %ge3A_70 : i32
      %mul3A_72 = arith.constant 32 : i32
      %mul3A_73 = arith.muli %sub3A_69, %mul3A_72 : i32
      %add3A_74 = arith.addi %mul3A_73, %add3A : i32
      %lt3A_75 = arith.constant 2500 : i32
      %lt3A_76 = arith.cmpi slt, %add3A_74, %lt3A_75 : i32
      %and3A_77 = arith.andi %ge3A_71, %lt3A_76 : i1
      %convert_element_type3A_78 = arith.extui %and3A_77 : i1 to i32
      %cond3A_79 = arith.constant 0 : i32
      %cond3A_80 = arith.cmpi ne, %convert_element_type3A_78, %cond3A_79 : i32
      scf.if %cond3A_80 {
        %dma_wait3A_365 = arith.constant 0 : i32
        %dma_wait3A_366 = tpu.memref_slice %arg26[%dma_wait3A_365] : memref<102400xf32, #tpu.memory_space<vmem_shared>> -> memref<102400xf32, #tpu.memory_space<vmem_shared>>
        tpu.wait_indirect_dma semaphore(%arg24 : memref<!tpu.dma_semaphore, #tpu.memory_space<semaphore_mem>>) src(%arg19 : memref<2560xf32, #tpu.memory_space<vmem>>) dst(%dma_wait3A_366 : memref<102400xf32, #tpu.memory_space<vmem_shared>>)
      } else {
      }
      %add3A_81 = arith.constant 1 : i32
      %add3A_82 = arith.addi %add3A_60, %add3A_81 : i32
      %ge3A_83 = arith.constant 0 : i32
      %ge3A_84 = arith.cmpi sge, %add3A_82, %ge3A_83 : i32
      %mul3A_85 = arith.constant 32 : i32
      %mul3A_86 = arith.muli %add3A_82, %mul3A_85 : i32
      %add3A_87 = arith.addi %mul3A_86, %add3A : i32
      %lt3A_88 = arith.constant 2500 : i32
      %lt3A_89 = arith.cmpi slt, %add3A_87, %lt3A_88 : i32
      %and3A_90 = arith.andi %ge3A_84, %lt3A_89 : i1
      %convert_element_type3A_91 = arith.extui %and3A_90 : i1 to i32
      %cond3A_92 = arith.constant 0 : i32
      %cond3A_93 = arith.cmpi ne, %convert_element_type3A_91, %cond3A_92 : i32
      scf.if %cond3A_93 {
        %add3A_365 = arith.constant 1 : i32
        %add3A_366 = arith.addi %add3A_60, %add3A_365 : i32
        %mul3A_367 = arith.constant 32 : i32
        %mul3A_368 = arith.muli %add3A_366, %mul3A_367 : i32
        %add3A_369 = arith.addi %mul3A_368, %add3A : i32
        %mul3A_370 = arith.constant 2560 : i32
        %mul3A_371 = arith.muli %add3A_369, %mul3A_370 : i32
        %dma_start3A_372 = tpu.memref_slice %arg4[%mul3A_371] : memref<6400000xi32, #tpu.memory_space<hbm>> -> memref<2560xi32, #tpu.memory_space<hbm>>
        %dma_start3A_373 = tpu.memref_slice %arg4[%mul3A_371] : memref<6400000xi32, #tpu.memory_space<hbm>> -> memref<2560xi32, #tpu.memory_space<hbm>>
        tpu.enqueue_dma source(%dma_start3A_373 : memref<2560xi32, #tpu.memory_space<hbm>>) target(%arg13 : memref<2560xi32, #tpu.memory_space<vmem>>) target_semaphore(%arg22 : memref<!tpu.dma_semaphore, #tpu.memory_space<semaphore_mem>>)
        %dma_start3A_374 = tpu.memref_slice %arg6[%mul3A_371] : memref<6400000xi32, #tpu.memory_space<hbm>> -> memref<2560xi32, #tpu.memory_space<hbm>>
        %dma_start3A_375 = tpu.memref_slice %arg6[%mul3A_371] : memref<6400000xi32, #tpu.memory_space<hbm>> -> memref<2560xi32, #tpu.memory_space<hbm>>
        tpu.enqueue_dma source(%dma_start3A_375 : memref<2560xi32, #tpu.memory_space<hbm>>) target(%arg15 : memref<2560xi32, #tpu.memory_space<vmem>>) target_semaphore(%arg22 : memref<!tpu.dma_semaphore, #tpu.memory_space<semaphore_mem>>)
        %dma_start3A_376 = tpu.memref_slice %arg5[%mul3A_371] : memref<6400000xi32, #tpu.memory_space<hbm>> -> memref<2560xi32, #tpu.memory_space<hbm>>
        %dma_start3A_377 = tpu.memref_slice %arg5[%mul3A_371] : memref<6400000xi32, #tpu.memory_space<hbm>> -> memref<2560xi32, #tpu.memory_space<hbm>>
        tpu.enqueue_dma source(%dma_start3A_377 : memref<2560xi32, #tpu.memory_space<hbm>>) target(%arg17 : memref<2560xi32, #tpu.memory_space<vmem>>) target_semaphore(%arg22 : memref<!tpu.dma_semaphore, #tpu.memory_space<semaphore_mem>>)
      } else {
      }
      %ge3A_94 = arith.constant 0 : i32
      %ge3A_95 = arith.cmpi sge, %add3A_60, %ge3A_94 : i32
      %mul3A_96 = arith.constant 32 : i32
      %mul3A_97 = arith.muli %add3A_60, %mul3A_96 : i32
      %add3A_98 = arith.addi %mul3A_97, %add3A : i32
      %lt3A_99 = arith.constant 2500 : i32
      %lt3A_100 = arith.cmpi slt, %add3A_98, %lt3A_99 : i32
      %and3A_101 = arith.andi %ge3A_95, %lt3A_100 : i1
      %convert_element_type3A_102 = arith.extui %and3A_101 : i1 to i32
      %cond3A_103 = arith.constant 0 : i32
      %cond3A_104 = arith.cmpi ne, %convert_element_type3A_102, %cond3A_103 : i32
      scf.if %cond3A_104 {
        %parallel_loop3A_365 = arith.constant 0 : i32
        %parallel_loop3A_366 = arith.constant 2560 : i32
        %parallel_loop3A_367 = arith.constant 16 : i32
        scf.for %parallel_loop3A_370 = %parallel_loop3A_365 to %parallel_loop3A_366 step %parallel_loop3A_367  : i32 {
          %parallel_loop3A_371 = arith.index_cast %parallel_loop3A_370 : i32 to index
          %parallel_loop3A_372 = tpu.vector_load %arg12[%parallel_loop3A_371] {strides = array<i32>} : memref<2560xi32, #tpu.memory_space<vmem>>, vector<16xi32>,
          %parallel_loop3A_373 = arith.index_cast %parallel_loop3A_370 : i32 to index
          %parallel_loop3A_374 = tpu.vector_load %arg14[%parallel_loop3A_373] {strides = array<i32>} : memref<2560xi32, #tpu.memory_space<vmem>>, vector<16xi32>,
          %parallel_loop3A_375 = tpu.vector_load_idx %arg10[%parallel_loop3A_372] : memref<100000xf32, #tpu.memory_space<vmem>>[vector<16xi32>], vector<16xf32>,
          %parallel_loop3A_376 = tpu.vector_load_idx %arg11[%parallel_loop3A_374] : memref<1024xf32, #tpu.memory_space<vmem>>[vector<16xi32>], vector<16xf32>,
          %parallel_loop3A_377 = arith.mulf %parallel_loop3A_375, %parallel_loop3A_376 : vector<16xf32>
          %parallel_loop3A_378 = arith.index_cast %parallel_loop3A_370 : i32 to index
          %parallel_loop3A_379 = tpu.vector_load %arg19[%parallel_loop3A_378] {strides = array<i32>} : memref<2560xf32, #tpu.memory_space<vmem>>, vector<16xf32>,
          tpu.vector_store %arg19[%parallel_loop3A_378], %parallel_loop3A_377 {strides = array<i32>} : memref<2560xf32, #tpu.memory_space<vmem>>, vector<16xf32>,
        } {sc.loop_unroll_factor = 4 : i64, sc.parallel_access}
        %dma_start3A_368 = arith.constant 0 : i32
        %dma_start3A_369 = tpu.memref_slice %arg26[%dma_start3A_368] : memref<102400xf32, #tpu.memory_space<vmem_shared>> -> memref<102400xf32, #tpu.memory_space<vmem_shared>>
        tpu.enqueue_indirect_dma source(%arg19 : memref<2560xf32, #tpu.memory_space<vmem>>) target(%dma_start3A_369 : memref<102400xf32, #tpu.memory_space<vmem_shared>>) offsets(%arg16 : memref<2560xi32, #tpu.memory_space<vmem>>) semaphore(%arg23 : memref<!tpu.dma_semaphore, #tpu.memory_space<semaphore_mem>>) {add = true}
      } else {
      }
      %mul3A_105 = arith.constant 6 : i32
      %mul3A_106 = arith.muli %mul3A_105, %scan3A_56 : i32
      %add3A_107 = arith.constant 1 : i32
      %add3A_108 = arith.addi %mul3A_106, %add3A_107 : i32
      %ge3A_109 = arith.constant 0 : i32
      %ge3A_110 = arith.cmpi sge, %add3A_108, %ge3A_109 : i32
      %mul3A_111 = arith.constant 32 : i32
      %mul3A_112 = arith.muli %add3A_108, %mul3A_111 : i32
      %add3A_113 = arith.addi %mul3A_112, %add3A : i32
      %lt3A_114 = arith.constant 2500 : i32
      %lt3A_115 = arith.cmpi slt, %add3A_113, %lt3A_114 : i32
      %and3A_116 = arith.andi %ge3A_110, %lt3A_115 : i1
      %convert_element_type3A_117 = arith.extui %and3A_116 : i1 to i32
      %cond3A_118 = arith.constant 0 : i32
      %cond3A_119 = arith.cmpi ne, %convert_element_type3A_117, %cond3A_118 : i32
      scf.if %cond3A_119 {
        %dma_wait3A_365 = arith.constant 0 : i32
        %dma_wait3A_366 = tpu.memref_slice %arg4[%dma_wait3A_365] : memref<6400000xi32, #tpu.memory_space<hbm>> -> memref<2560xi32, #tpu.memory_space<hbm>>
        %dma_wait3A_367 = arith.constant 0 : i32
        %dma_wait3A_368 = tpu.memref_slice %arg4[%dma_wait3A_367] : memref<6400000xi32, #tpu.memory_space<hbm>> -> memref<2560xi32, #tpu.memory_space<hbm>>
        tpu.wait_dma2 semaphore(%arg22 : memref<!tpu.dma_semaphore, #tpu.memory_space<semaphore_mem>>) src(%dma_wait3A_368 : memref<2560xi32, #tpu.memory_space<hbm>>) dst(%arg13 : memref<2560xi32, #tpu.memory_space<vmem>>)
        %dma_wait3A_369 = arith.constant 0 : i32
        %dma_wait3A_370 = tpu.memref_slice %arg6[%dma_wait3A_369] : memref<6400000xi32, #tpu.memory_space<hbm>> -> memref<2560xi32, #tpu.memory_space<hbm>>
        %dma_wait3A_371 = arith.constant 0 : i32
        %dma_wait3A_372 = tpu.memref_slice %arg6[%dma_wait3A_371] : memref<6400000xi32, #tpu.memory_space<hbm>> -> memref<2560xi32, #tpu.memory_space<hbm>>
        tpu.wait_dma2 semaphore(%arg22 : memref<!tpu.dma_semaphore, #tpu.memory_space<semaphore_mem>>) src(%dma_wait3A_372 : memref<2560xi32, #tpu.memory_space<hbm>>) dst(%arg15 : memref<2560xi32, #tpu.memory_space<vmem>>)
        %dma_wait3A_373 = arith.constant 0 : i32
        %dma_wait3A_374 = tpu.memref_slice %arg5[%dma_wait3A_373] : memref<6400000xi32, #tpu.memory_space<hbm>> -> memref<2560xi32, #tpu.memory_space<hbm>>
        %dma_wait3A_375 = arith.constant 0 : i32
        %dma_wait3A_376 = tpu.memref_slice %arg5[%dma_wait3A_375] : memref<6400000xi32, #tpu.memory_space<hbm>> -> memref<2560xi32, #tpu.memory_space<hbm>>
        tpu.wait_dma2 semaphore(%arg22 : memref<!tpu.dma_semaphore, #tpu.memory_space<semaphore_mem>>) src(%dma_wait3A_376 : memref<2560xi32, #tpu.memory_space<hbm>>) dst(%arg17 : memref<2560xi32, #tpu.memory_space<vmem>>)
      } else {
      }
      %sub3A_120 = arith.constant 2 : i32
      %sub3A_121 = arith.subi %add3A_108, %sub3A_120 : i32
      %ge3A_122 = arith.constant 0 : i32
      %ge3A_123 = arith.cmpi sge, %sub3A_121, %ge3A_122 : i32
      %mul3A_124 = arith.constant 32 : i32
      %mul3A_125 = arith.muli %sub3A_121, %mul3A_124 : i32
      %add3A_126 = arith.addi %mul3A_125, %add3A : i32
      %lt3A_127 = arith.constant 2500 : i32
      %lt3A_128 = arith.cmpi slt, %add3A_126, %lt3A_127 : i32
      %and3A_129 = arith.andi %ge3A_123, %lt3A_128 : i1
      %convert_element_type3A_130 = arith.extui %and3A_129 : i1 to i32
      %cond3A_131 = arith.constant 0 : i32
      %cond3A_132 = arith.cmpi ne, %convert_element_type3A_130, %cond3A_131 : i32
      scf.if %cond3A_132 {
        %dma_wait3A_365 = arith.constant 0 : i32
        %dma_wait3A_366 = tpu.memref_slice %arg26[%dma_wait3A_365] : memref<102400xf32, #tpu.memory_space<vmem_shared>> -> memref<102400xf32, #tpu.memory_space<vmem_shared>>
        tpu.wait_indirect_dma semaphore(%arg25 : memref<!tpu.dma_semaphore, #tpu.memory_space<semaphore_mem>>) src(%arg20 : memref<2560xf32, #tpu.memory_space<vmem>>) dst(%dma_wait3A_366 : memref<102400xf32, #tpu.memory_space<vmem_shared>>)
      } else {
      }
      %add3A_133 = arith.constant 1 : i32
      %add3A_134 = arith.addi %add3A_108, %add3A_133 : i32
      %ge3A_135 = arith.constant 0 : i32
      %ge3A_136 = arith.cmpi sge, %add3A_134, %ge3A_135 : i32
      %mul3A_137 = arith.constant 32 : i32
      %mul3A_138 = arith.muli %add3A_134, %mul3A_137 : i32
      %add3A_139 = arith.addi %mul3A_138, %add3A : i32
      %lt3A_140 = arith.constant 2500 : i32
      %lt3A_141 = arith.cmpi slt, %add3A_139, %lt3A_140 : i32
      %and3A_142 = arith.andi %ge3A_136, %lt3A_141 : i1
      %convert_element_type3A_143 = arith.extui %and3A_142 : i1 to i32
      %cond3A_144 = arith.constant 0 : i32
      %cond3A_145 = arith.cmpi ne, %convert_element_type3A_143, %cond3A_144 : i32
      scf.if %cond3A_145 {
        %add3A_365 = arith.constant 1 : i32
        %add3A_366 = arith.addi %add3A_108, %add3A_365 : i32
        %mul3A_367 = arith.constant 32 : i32
        %mul3A_368 = arith.muli %add3A_366, %mul3A_367 : i32
        %add3A_369 = arith.addi %mul3A_368, %add3A : i32
        %mul3A_370 = arith.constant 2560 : i32
        %mul3A_371 = arith.muli %add3A_369, %mul3A_370 : i32
        %dma_start3A_372 = tpu.memref_slice %arg4[%mul3A_371] : memref<6400000xi32, #tpu.memory_space<hbm>> -> memref<2560xi32, #tpu.memory_space<hbm>>
        %dma_start3A_373 = tpu.memref_slice %arg4[%mul3A_371] : memref<6400000xi32, #tpu.memory_space<hbm>> -> memref<2560xi32, #tpu.memory_space<hbm>>
        tpu.enqueue_dma source(%dma_start3A_373 : memref<2560xi32, #tpu.memory_space<hbm>>) target(%arg12 : memref<2560xi32, #tpu.memory_space<vmem>>) target_semaphore(%arg21 : memref<!tpu.dma_semaphore, #tpu.memory_space<semaphore_mem>>)
        %dma_start3A_374 = tpu.memref_slice %arg6[%mul3A_371] : memref<6400000xi32, #tpu.memory_space<hbm>> -> memref<2560xi32, #tpu.memory_space<hbm>>
        %dma_start3A_375 = tpu.memref_slice %arg6[%mul3A_371] : memref<6400000xi32, #tpu.memory_space<hbm>> -> memref<2560xi32, #tpu.memory_space<hbm>>
        tpu.enqueue_dma source(%dma_start3A_375 : memref<2560xi32, #tpu.memory_space<hbm>>) target(%arg14 : memref<2560xi32, #tpu.memory_space<vmem>>) target_semaphore(%arg21 : memref<!tpu.dma_semaphore, #tpu.memory_space<semaphore_mem>>)
        %dma_start3A_376 = tpu.memref_slice %arg5[%mul3A_371] : memref<6400000xi32, #tpu.memory_space<hbm>> -> memref<2560xi32, #tpu.memory_space<hbm>>
        %dma_start3A_377 = tpu.memref_slice %arg5[%mul3A_371] : memref<6400000xi32, #tpu.memory_space<hbm>> -> memref<2560xi32, #tpu.memory_space<hbm>>
        tpu.enqueue_dma source(%dma_start3A_377 : memref<2560xi32, #tpu.memory_space<hbm>>) target(%arg18 : memref<2560xi32, #tpu.memory_space<vmem>>) target_semaphore(%arg21 : memref<!tpu.dma_semaphore, #tpu.memory_space<semaphore_mem>>)
      } else {
      }
      %ge3A_146 = arith.constant 0 : i32
      %ge3A_147 = arith.cmpi sge, %add3A_108, %ge3A_146 : i32
      %mul3A_148 = arith.constant 32 : i32
      %mul3A_149 = arith.muli %add3A_108, %mul3A_148 : i32
      %add3A_150 = arith.addi %mul3A_149, %add3A : i32
      %lt3A_151 = arith.constant 2500 : i32
      %lt3A_152 = arith.cmpi slt, %add3A_150, %lt3A_151 : i32
      %and3A_153 = arith.andi %ge3A_147, %lt3A_152 : i1
      %convert_element_type3A_154 = arith.extui %and3A_153 : i1 to i32
      %cond3A_155 = arith.constant 0 : i32
      %cond3A_156 = arith.cmpi ne, %convert_element_type3A_154, %cond3A_155 : i32
      scf.if %cond3A_156 {
        %parallel_loop3A_365 = arith.constant 0 : i32
        %parallel_loop3A_366 = arith.constant 2560 : i32
        %parallel_loop3A_367 = arith.constant 16 : i32
        scf.for %parallel_loop3A_370 = %parallel_loop3A_365 to %parallel_loop3A_366 step %parallel_loop3A_367  : i32 {
          %parallel_loop3A_371 = arith.index_cast %parallel_loop3A_370 : i32 to index
          %parallel_loop3A_372 = tpu.vector_load %arg13[%parallel_loop3A_371] {strides = array<i32>} : memref<2560xi32, #tpu.memory_space<vmem>>, vector<16xi32>,
          %parallel_loop3A_373 = arith.index_cast %parallel_loop3A_370 : i32 to index
          %parallel_loop3A_374 = tpu.vector_load %arg15[%parallel_loop3A_373] {strides = array<i32>} : memref<2560xi32, #tpu.memory_space<vmem>>, vector<16xi32>,
          %parallel_loop3A_375 = tpu.vector_load_idx %arg10[%parallel_loop3A_372] : memref<100000xf32, #tpu.memory_space<vmem>>[vector<16xi32>], vector<16xf32>,
          %parallel_loop3A_376 = tpu.vector_load_idx %arg11[%parallel_loop3A_374] : memref<1024xf32, #tpu.memory_space<vmem>>[vector<16xi32>], vector<16xf32>,
          %parallel_loop3A_377 = arith.mulf %parallel_loop3A_375, %parallel_loop3A_376 : vector<16xf32>
          %parallel_loop3A_378 = arith.index_cast %parallel_loop3A_370 : i32 to index
          %parallel_loop3A_379 = tpu.vector_load %arg20[%parallel_loop3A_378] {strides = array<i32>} : memref<2560xf32, #tpu.memory_space<vmem>>, vector<16xf32>,
          tpu.vector_store %arg20[%parallel_loop3A_378], %parallel_loop3A_377 {strides = array<i32>} : memref<2560xf32, #tpu.memory_space<vmem>>, vector<16xf32>,
        } {sc.loop_unroll_factor = 4 : i64, sc.parallel_access}
        %dma_start3A_368 = arith.constant 0 : i32
        %dma_start3A_369 = tpu.memref_slice %arg26[%dma_start3A_368] : memref<102400xf32, #tpu.memory_space<vmem_shared>> -> memref<102400xf32, #tpu.memory_space<vmem_shared>>
        tpu.enqueue_indirect_dma source(%arg20 : memref<2560xf32, #tpu.memory_space<vmem>>) target(%dma_start3A_369 : memref<102400xf32, #tpu.memory_space<vmem_shared>>) offsets(%arg17 : memref<2560xi32, #tpu.memory_space<vmem>>) semaphore(%arg24 : memref<!tpu.dma_semaphore, #tpu.memory_space<semaphore_mem>>) {add = true}
      } else {
      }
      %mul3A_157 = arith.constant 6 : i32
      %mul3A_158 = arith.muli %mul3A_157, %scan3A_56 : i32
      %add3A_159 = arith.constant 2 : i32
      %add3A_160 = arith.addi %mul3A_158, %add3A_159 : i32
      %ge3A_161 = arith.constant 0 : i32
      %ge3A_162 = arith.cmpi sge, %add3A_160, %ge3A_161 : i32
      %mul3A_163 = arith.constant 32 : i32
      %mul3A_164 = arith.muli %add3A_160, %mul3A_163 : i32
      %add3A_165 = arith.addi %mul3A_164, %add3A : i32
      %lt3A_166 = arith.constant 2500 : i32
      %lt3A_167 = arith.cmpi slt, %add3A_165, %lt3A_166 : i32
      %and3A_168 = arith.andi %ge3A_162, %lt3A_167 : i1
      %convert_element_type3A_169 = arith.extui %and3A_168 : i1 to i32
      %cond3A_170 = arith.constant 0 : i32
      %cond3A_171 = arith.cmpi ne, %convert_element_type3A_169, %cond3A_170 : i32
      scf.if %cond3A_171 {
        %dma_wait3A_365 = arith.constant 0 : i32
        %dma_wait3A_366 = tpu.memref_slice %arg4[%dma_wait3A_365] : memref<6400000xi32, #tpu.memory_space<hbm>> -> memref<2560xi32, #tpu.memory_space<hbm>>
        %dma_wait3A_367 = arith.constant 0 : i32
        %dma_wait3A_368 = tpu.memref_slice %arg4[%dma_wait3A_367] : memref<6400000xi32, #tpu.memory_space<hbm>> -> memref<2560xi32, #tpu.memory_space<hbm>>
        tpu.wait_dma2 semaphore(%arg21 : memref<!tpu.dma_semaphore, #tpu.memory_space<semaphore_mem>>) src(%dma_wait3A_368 : memref<2560xi32, #tpu.memory_space<hbm>>) dst(%arg12 : memref<2560xi32, #tpu.memory_space<vmem>>)
        %dma_wait3A_369 = arith.constant 0 : i32
        %dma_wait3A_370 = tpu.memref_slice %arg6[%dma_wait3A_369] : memref<6400000xi32, #tpu.memory_space<hbm>> -> memref<2560xi32, #tpu.memory_space<hbm>>
        %dma_wait3A_371 = arith.constant 0 : i32
        %dma_wait3A_372 = tpu.memref_slice %arg6[%dma_wait3A_371] : memref<6400000xi32, #tpu.memory_space<hbm>> -> memref<2560xi32, #tpu.memory_space<hbm>>
        tpu.wait_dma2 semaphore(%arg21 : memref<!tpu.dma_semaphore, #tpu.memory_space<semaphore_mem>>) src(%dma_wait3A_372 : memref<2560xi32, #tpu.memory_space<hbm>>) dst(%arg14 : memref<2560xi32, #tpu.memory_space<vmem>>)
        %dma_wait3A_373 = arith.constant 0 : i32
        %dma_wait3A_374 = tpu.memref_slice %arg5[%dma_wait3A_373] : memref<6400000xi32, #tpu.memory_space<hbm>> -> memref<2560xi32, #tpu.memory_space<hbm>>
        %dma_wait3A_375 = arith.constant 0 : i32
        %dma_wait3A_376 = tpu.memref_slice %arg5[%dma_wait3A_375] : memref<6400000xi32, #tpu.memory_space<hbm>> -> memref<2560xi32, #tpu.memory_space<hbm>>
        tpu.wait_dma2 semaphore(%arg21 : memref<!tpu.dma_semaphore, #tpu.memory_space<semaphore_mem>>) src(%dma_wait3A_376 : memref<2560xi32, #tpu.memory_space<hbm>>) dst(%arg18 : memref<2560xi32, #tpu.memory_space<vmem>>)
      } else {
      }
      %sub3A_172 = arith.constant 2 : i32
      %sub3A_173 = arith.subi %add3A_160, %sub3A_172 : i32
      %ge3A_174 = arith.constant 0 : i32
      %ge3A_175 = arith.cmpi sge, %sub3A_173, %ge3A_174 : i32
      %mul3A_176 = arith.constant 32 : i32
      %mul3A_177 = arith.muli %sub3A_173, %mul3A_176 : i32
      %add3A_178 = arith.addi %mul3A_177, %add3A : i32
      %lt3A_179 = arith.constant 2500 : i32
      %lt3A_180 = arith.cmpi slt, %add3A_178, %lt3A_179 : i32
      %and3A_181 = arith.andi %ge3A_175, %lt3A_180 : i1
      %convert_element_type3A_182 = arith.extui %and3A_181 : i1 to i32
      %cond3A_183 = arith.constant 0 : i32
      %cond3A_184 = arith.cmpi ne, %convert_element_type3A_182, %cond3A_183 : i32
      scf.if %cond3A_184 {
        %dma_wait3A_365 = arith.constant 0 : i32
        %dma_wait3A_366 = tpu.memref_slice %arg26[%dma_wait3A_365] : memref<102400xf32, #tpu.memory_space<vmem_shared>> -> memref<102400xf32, #tpu.memory_space<vmem_shared>>
        tpu.wait_indirect_dma semaphore(%arg23 : memref<!tpu.dma_semaphore, #tpu.memory_space<semaphore_mem>>) src(%arg19 : memref<2560xf32, #tpu.memory_space<vmem>>) dst(%dma_wait3A_366 : memref<102400xf32, #tpu.memory_space<vmem_shared>>)
      } else {
      }
      %add3A_185 = arith.constant 1 : i32
      %add3A_186 = arith.addi %add3A_160, %add3A_185 : i32
      %ge3A_187 = arith.constant 0 : i32
      %ge3A_188 = arith.cmpi sge, %add3A_186, %ge3A_187 : i32
      %mul3A_189 = arith.constant 32 : i32
      %mul3A_190 = arith.muli %add3A_186, %mul3A_189 : i32
      %add3A_191 = arith.addi %mul3A_190, %add3A : i32
      %lt3A_192 = arith.constant 2500 : i32
      %lt3A_193 = arith.cmpi slt, %add3A_191, %lt3A_192 : i32
      %and3A_194 = arith.andi %ge3A_188, %lt3A_193 : i1
      %convert_element_type3A_195 = arith.extui %and3A_194 : i1 to i32
      %cond3A_196 = arith.constant 0 : i32
      %cond3A_197 = arith.cmpi ne, %convert_element_type3A_195, %cond3A_196 : i32
      scf.if %cond3A_197 {
        %add3A_365 = arith.constant 1 : i32
        %add3A_366 = arith.addi %add3A_160, %add3A_365 : i32
        %mul3A_367 = arith.constant 32 : i32
        %mul3A_368 = arith.muli %add3A_366, %mul3A_367 : i32
        %add3A_369 = arith.addi %mul3A_368, %add3A : i32
        %mul3A_370 = arith.constant 2560 : i32
        %mul3A_371 = arith.muli %add3A_369, %mul3A_370 : i32
        %dma_start3A_372 = tpu.memref_slice %arg4[%mul3A_371] : memref<6400000xi32, #tpu.memory_space<hbm>> -> memref<2560xi32, #tpu.memory_space<hbm>>
        %dma_start3A_373 = tpu.memref_slice %arg4[%mul3A_371] : memref<6400000xi32, #tpu.memory_space<hbm>> -> memref<2560xi32, #tpu.memory_space<hbm>>
        tpu.enqueue_dma source(%dma_start3A_373 : memref<2560xi32, #tpu.memory_space<hbm>>) target(%arg13 : memref<2560xi32, #tpu.memory_space<vmem>>) target_semaphore(%arg22 : memref<!tpu.dma_semaphore, #tpu.memory_space<semaphore_mem>>)
        %dma_start3A_374 = tpu.memref_slice %arg6[%mul3A_371] : memref<6400000xi32, #tpu.memory_space<hbm>> -> memref<2560xi32, #tpu.memory_space<hbm>>
        %dma_start3A_375 = tpu.memref_slice %arg6[%mul3A_371] : memref<6400000xi32, #tpu.memory_space<hbm>> -> memref<2560xi32, #tpu.memory_space<hbm>>
        tpu.enqueue_dma source(%dma_start3A_375 : memref<2560xi32, #tpu.memory_space<hbm>>) target(%arg15 : memref<2560xi32, #tpu.memory_space<vmem>>) target_semaphore(%arg22 : memref<!tpu.dma_semaphore, #tpu.memory_space<semaphore_mem>>)
        %dma_start3A_376 = tpu.memref_slice %arg5[%mul3A_371] : memref<6400000xi32, #tpu.memory_space<hbm>> -> memref<2560xi32, #tpu.memory_space<hbm>>
        %dma_start3A_377 = tpu.memref_slice %arg5[%mul3A_371] : memref<6400000xi32, #tpu.memory_space<hbm>> -> memref<2560xi32, #tpu.memory_space<hbm>>
        tpu.enqueue_dma source(%dma_start3A_377 : memref<2560xi32, #tpu.memory_space<hbm>>) target(%arg16 : memref<2560xi32, #tpu.memory_space<vmem>>) target_semaphore(%arg22 : memref<!tpu.dma_semaphore, #tpu.memory_space<semaphore_mem>>)
      } else {
      }
      %ge3A_198 = arith.constant 0 : i32
      %ge3A_199 = arith.cmpi sge, %add3A_160, %ge3A_198 : i32
      %mul3A_200 = arith.constant 32 : i32
      %mul3A_201 = arith.muli %add3A_160, %mul3A_200 : i32
      %add3A_202 = arith.addi %mul3A_201, %add3A : i32
      %lt3A_203 = arith.constant 2500 : i32
      %lt3A_204 = arith.cmpi slt, %add3A_202, %lt3A_203 : i32
      %and3A_205 = arith.andi %ge3A_199, %lt3A_204 : i1
      %convert_element_type3A_206 = arith.extui %and3A_205 : i1 to i32
      %cond3A_207 = arith.constant 0 : i32
      %cond3A_208 = arith.cmpi ne, %convert_element_type3A_206, %cond3A_207 : i32
      scf.if %cond3A_208 {
        %parallel_loop3A_365 = arith.constant 0 : i32
        %parallel_loop3A_366 = arith.constant 2560 : i32
        %parallel_loop3A_367 = arith.constant 16 : i32
        scf.for %parallel_loop3A_370 = %parallel_loop3A_365 to %parallel_loop3A_366 step %parallel_loop3A_367  : i32 {
          %parallel_loop3A_371 = arith.index_cast %parallel_loop3A_370 : i32 to index
          %parallel_loop3A_372 = tpu.vector_load %arg12[%parallel_loop3A_371] {strides = array<i32>} : memref<2560xi32, #tpu.memory_space<vmem>>, vector<16xi32>,
          %parallel_loop3A_373 = arith.index_cast %parallel_loop3A_370 : i32 to index
          %parallel_loop3A_374 = tpu.vector_load %arg14[%parallel_loop3A_373] {strides = array<i32>} : memref<2560xi32, #tpu.memory_space<vmem>>, vector<16xi32>,
          %parallel_loop3A_375 = tpu.vector_load_idx %arg10[%parallel_loop3A_372] : memref<100000xf32, #tpu.memory_space<vmem>>[vector<16xi32>], vector<16xf32>,
          %parallel_loop3A_376 = tpu.vector_load_idx %arg11[%parallel_loop3A_374] : memref<1024xf32, #tpu.memory_space<vmem>>[vector<16xi32>], vector<16xf32>,
          %parallel_loop3A_377 = arith.mulf %parallel_loop3A_375, %parallel_loop3A_376 : vector<16xf32>
          %parallel_loop3A_378 = arith.index_cast %parallel_loop3A_370 : i32 to index
          %parallel_loop3A_379 = tpu.vector_load %arg19[%parallel_loop3A_378] {strides = array<i32>} : memref<2560xf32, #tpu.memory_space<vmem>>, vector<16xf32>,
          tpu.vector_store %arg19[%parallel_loop3A_378], %parallel_loop3A_377 {strides = array<i32>} : memref<2560xf32, #tpu.memory_space<vmem>>, vector<16xf32>,
        } {sc.loop_unroll_factor = 4 : i64, sc.parallel_access}
        %dma_start3A_368 = arith.constant 0 : i32
        %dma_start3A_369 = tpu.memref_slice %arg26[%dma_start3A_368] : memref<102400xf32, #tpu.memory_space<vmem_shared>> -> memref<102400xf32, #tpu.memory_space<vmem_shared>>
        tpu.enqueue_indirect_dma source(%arg19 : memref<2560xf32, #tpu.memory_space<vmem>>) target(%dma_start3A_369 : memref<102400xf32, #tpu.memory_space<vmem_shared>>) offsets(%arg18 : memref<2560xi32, #tpu.memory_space<vmem>>) semaphore(%arg25 : memref<!tpu.dma_semaphore, #tpu.memory_space<semaphore_mem>>) {add = true}
      } else {
      }
      %mul3A_209 = arith.constant 6 : i32
      %mul3A_210 = arith.muli %mul3A_209, %scan3A_56 : i32
      %add3A_211 = arith.constant 3 : i32
      %add3A_212 = arith.addi %mul3A_210, %add3A_211 : i32
      %ge3A_213 = arith.constant 0 : i32
      %ge3A_214 = arith.cmpi sge, %add3A_212, %ge3A_213 : i32
      %mul3A_215 = arith.constant 32 : i32
      %mul3A_216 = arith.muli %add3A_212, %mul3A_215 : i32
      %add3A_217 = arith.addi %mul3A_216, %add3A : i32
      %lt3A_218 = arith.constant 2500 : i32
      %lt3A_219 = arith.cmpi slt, %add3A_217, %lt3A_218 : i32
      %and3A_220 = arith.andi %ge3A_214, %lt3A_219 : i1
      %convert_element_type3A_221 = arith.extui %and3A_220 : i1 to i32
      %cond3A_222 = arith.constant 0 : i32
      %cond3A_223 = arith.cmpi ne, %convert_element_type3A_221, %cond3A_222 : i32
      scf.if %cond3A_223 {
        %dma_wait3A_365 = arith.constant 0 : i32
        %dma_wait3A_366 = tpu.memref_slice %arg4[%dma_wait3A_365] : memref<6400000xi32, #tpu.memory_space<hbm>> -> memref<2560xi32, #tpu.memory_space<hbm>>
        %dma_wait3A_367 = arith.constant 0 : i32
        %dma_wait3A_368 = tpu.memref_slice %arg4[%dma_wait3A_367] : memref<6400000xi32, #tpu.memory_space<hbm>> -> memref<2560xi32, #tpu.memory_space<hbm>>
        tpu.wait_dma2 semaphore(%arg22 : memref<!tpu.dma_semaphore, #tpu.memory_space<semaphore_mem>>) src(%dma_wait3A_368 : memref<2560xi32, #tpu.memory_space<hbm>>) dst(%arg13 : memref<2560xi32, #tpu.memory_space<vmem>>)
        %dma_wait3A_369 = arith.constant 0 : i32
        %dma_wait3A_370 = tpu.memref_slice %arg6[%dma_wait3A_369] : memref<6400000xi32, #tpu.memory_space<hbm>> -> memref<2560xi32, #tpu.memory_space<hbm>>
        %dma_wait3A_371 = arith.constant 0 : i32
        %dma_wait3A_372 = tpu.memref_slice %arg6[%dma_wait3A_371] : memref<6400000xi32, #tpu.memory_space<hbm>> -> memref<2560xi32, #tpu.memory_space<hbm>>
        tpu.wait_dma2 semaphore(%arg22 : memref<!tpu.dma_semaphore, #tpu.memory_space<semaphore_mem>>) src(%dma_wait3A_372 : memref<2560xi32, #tpu.memory_space<hbm>>) dst(%arg15 : memref<2560xi32, #tpu.memory_space<vmem>>)
        %dma_wait3A_373 = arith.constant 0 : i32
        %dma_wait3A_374 = tpu.memref_slice %arg5[%dma_wait3A_373] : memref<6400000xi32, #tpu.memory_space<hbm>> -> memref<2560xi32, #tpu.memory_space<hbm>>
        %dma_wait3A_375 = arith.constant 0 : i32
        %dma_wait3A_376 = tpu.memref_slice %arg5[%dma_wait3A_375] : memref<6400000xi32, #tpu.memory_space<hbm>> -> memref<2560xi32, #tpu.memory_space<hbm>>
        tpu.wait_dma2 semaphore(%arg22 : memref<!tpu.dma_semaphore, #tpu.memory_space<semaphore_mem>>) src(%dma_wait3A_376 : memref<2560xi32, #tpu.memory_space<hbm>>) dst(%arg16 : memref<2560xi32, #tpu.memory_space<vmem>>)
      } else {
      }
      %sub3A_224 = arith.constant 2 : i32
      %sub3A_225 = arith.subi %add3A_212, %sub3A_224 : i32
      %ge3A_226 = arith.constant 0 : i32
      %ge3A_227 = arith.cmpi sge, %sub3A_225, %ge3A_226 : i32
      %mul3A_228 = arith.constant 32 : i32
      %mul3A_229 = arith.muli %sub3A_225, %mul3A_228 : i32
      %add3A_230 = arith.addi %mul3A_229, %add3A : i32
      %lt3A_231 = arith.constant 2500 : i32
      %lt3A_232 = arith.cmpi slt, %add3A_230, %lt3A_231 : i32
      %and3A_233 = arith.andi %ge3A_227, %lt3A_232 : i1
      %convert_element_type3A_234 = arith.extui %and3A_233 : i1 to i32
      %cond3A_235 = arith.constant 0 : i32
      %cond3A_236 = arith.cmpi ne, %convert_element_type3A_234, %cond3A_235 : i32
      scf.if %cond3A_236 {
        %dma_wait3A_365 = arith.constant 0 : i32
        %dma_wait3A_366 = tpu.memref_slice %arg26[%dma_wait3A_365] : memref<102400xf32, #tpu.memory_space<vmem_shared>> -> memref<102400xf32, #tpu.memory_space<vmem_shared>>
        tpu.wait_indirect_dma semaphore(%arg24 : memref<!tpu.dma_semaphore, #tpu.memory_space<semaphore_mem>>) src(%arg20 : memref<2560xf32, #tpu.memory_space<vmem>>) dst(%dma_wait3A_366 : memref<102400xf32, #tpu.memory_space<vmem_shared>>)
      } else {
      }
      %add3A_237 = arith.constant 1 : i32
      %add3A_238 = arith.addi %add3A_212, %add3A_237 : i32
      %ge3A_239 = arith.constant 0 : i32
      %ge3A_240 = arith.cmpi sge, %add3A_238, %ge3A_239 : i32
      %mul3A_241 = arith.constant 32 : i32
      %mul3A_242 = arith.muli %add3A_238, %mul3A_241 : i32
      %add3A_243 = arith.addi %mul3A_242, %add3A : i32
      %lt3A_244 = arith.constant 2500 : i32
      %lt3A_245 = arith.cmpi slt, %add3A_243, %lt3A_244 : i32
      %and3A_246 = arith.andi %ge3A_240, %lt3A_245 : i1
      %convert_element_type3A_247 = arith.extui %and3A_246 : i1 to i32
      %cond3A_248 = arith.constant 0 : i32
      %cond3A_249 = arith.cmpi ne, %convert_element_type3A_247, %cond3A_248 : i32
      scf.if %cond3A_249 {
        %add3A_365 = arith.constant 1 : i32
        %add3A_366 = arith.addi %add3A_212, %add3A_365 : i32
        %mul3A_367 = arith.constant 32 : i32
        %mul3A_368 = arith.muli %add3A_366, %mul3A_367 : i32
        %add3A_369 = arith.addi %mul3A_368, %add3A : i32
        %mul3A_370 = arith.constant 2560 : i32
        %mul3A_371 = arith.muli %add3A_369, %mul3A_370 : i32
        %dma_start3A_372 = tpu.memref_slice %arg4[%mul3A_371] : memref<6400000xi32, #tpu.memory_space<hbm>> -> memref<2560xi32, #tpu.memory_space<hbm>>
        %dma_start3A_373 = tpu.memref_slice %arg4[%mul3A_371] : memref<6400000xi32, #tpu.memory_space<hbm>> -> memref<2560xi32, #tpu.memory_space<hbm>>
        tpu.enqueue_dma source(%dma_start3A_373 : memref<2560xi32, #tpu.memory_space<hbm>>) target(%arg12 : memref<2560xi32, #tpu.memory_space<vmem>>) target_semaphore(%arg21 : memref<!tpu.dma_semaphore, #tpu.memory_space<semaphore_mem>>)
        %dma_start3A_374 = tpu.memref_slice %arg6[%mul3A_371] : memref<6400000xi32, #tpu.memory_space<hbm>> -> memref<2560xi32, #tpu.memory_space<hbm>>
        %dma_start3A_375 = tpu.memref_slice %arg6[%mul3A_371] : memref<6400000xi32, #tpu.memory_space<hbm>> -> memref<2560xi32, #tpu.memory_space<hbm>>
        tpu.enqueue_dma source(%dma_start3A_375 : memref<2560xi32, #tpu.memory_space<hbm>>) target(%arg14 : memref<2560xi32, #tpu.memory_space<vmem>>) target_semaphore(%arg21 : memref<!tpu.dma_semaphore, #tpu.memory_space<semaphore_mem>>)
        %dma_start3A_376 = tpu.memref_slice %arg5[%mul3A_371] : memref<6400000xi32, #tpu.memory_space<hbm>> -> memref<2560xi32, #tpu.memory_space<hbm>>
        %dma_start3A_377 = tpu.memref_slice %arg5[%mul3A_371] : memref<6400000xi32, #tpu.memory_space<hbm>> -> memref<2560xi32, #tpu.memory_space<hbm>>
        tpu.enqueue_dma source(%dma_start3A_377 : memref<2560xi32, #tpu.memory_space<hbm>>) target(%arg17 : memref<2560xi32, #tpu.memory_space<vmem>>) target_semaphore(%arg21 : memref<!tpu.dma_semaphore, #tpu.memory_space<semaphore_mem>>)
      } else {
      }
      %ge3A_250 = arith.constant 0 : i32
      %ge3A_251 = arith.cmpi sge, %add3A_212, %ge3A_250 : i32
      %mul3A_252 = arith.constant 32 : i32
      %mul3A_253 = arith.muli %add3A_212, %mul3A_252 : i32
      %add3A_254 = arith.addi %mul3A_253, %add3A : i32
      %lt3A_255 = arith.constant 2500 : i32
      %lt3A_256 = arith.cmpi slt, %add3A_254, %lt3A_255 : i32
      %and3A_257 = arith.andi %ge3A_251, %lt3A_256 : i1
      %convert_element_type3A_258 = arith.extui %and3A_257 : i1 to i32
      %cond3A_259 = arith.constant 0 : i32
      %cond3A_260 = arith.cmpi ne, %convert_element_type3A_258, %cond3A_259 : i32
      scf.if %cond3A_260 {
        %parallel_loop3A_365 = arith.constant 0 : i32
        %parallel_loop3A_366 = arith.constant 2560 : i32
        %parallel_loop3A_367 = arith.constant 16 : i32
        scf.for %parallel_loop3A_370 = %parallel_loop3A_365 to %parallel_loop3A_366 step %parallel_loop3A_367  : i32 {
          %parallel_loop3A_371 = arith.index_cast %parallel_loop3A_370 : i32 to index
          %parallel_loop3A_372 = tpu.vector_load %arg13[%parallel_loop3A_371] {strides = array<i32>} : memref<2560xi32, #tpu.memory_space<vmem>>, vector<16xi32>,
          %parallel_loop3A_373 = arith.index_cast %parallel_loop3A_370 : i32 to index
          %parallel_loop3A_374 = tpu.vector_load %arg15[%parallel_loop3A_373] {strides = array<i32>} : memref<2560xi32, #tpu.memory_space<vmem>>, vector<16xi32>,
          %parallel_loop3A_375 = tpu.vector_load_idx %arg10[%parallel_loop3A_372] : memref<100000xf32, #tpu.memory_space<vmem>>[vector<16xi32>], vector<16xf32>,
          %parallel_loop3A_376 = tpu.vector_load_idx %arg11[%parallel_loop3A_374] : memref<1024xf32, #tpu.memory_space<vmem>>[vector<16xi32>], vector<16xf32>,
          %parallel_loop3A_377 = arith.mulf %parallel_loop3A_375, %parallel_loop3A_376 : vector<16xf32>
          %parallel_loop3A_378 = arith.index_cast %parallel_loop3A_370 : i32 to index
          %parallel_loop3A_379 = tpu.vector_load %arg20[%parallel_loop3A_378] {strides = array<i32>} : memref<2560xf32, #tpu.memory_space<vmem>>, vector<16xf32>,
          tpu.vector_store %arg20[%parallel_loop3A_378], %parallel_loop3A_377 {strides = array<i32>} : memref<2560xf32, #tpu.memory_space<vmem>>, vector<16xf32>,
        } {sc.loop_unroll_factor = 4 : i64, sc.parallel_access}
        %dma_start3A_368 = arith.constant 0 : i32
        %dma_start3A_369 = tpu.memref_slice %arg26[%dma_start3A_368] : memref<102400xf32, #tpu.memory_space<vmem_shared>> -> memref<102400xf32, #tpu.memory_space<vmem_shared>>
        tpu.enqueue_indirect_dma source(%arg20 : memref<2560xf32, #tpu.memory_space<vmem>>) target(%dma_start3A_369 : memref<102400xf32, #tpu.memory_space<vmem_shared>>) offsets(%arg16 : memref<2560xi32, #tpu.memory_space<vmem>>) semaphore(%arg23 : memref<!tpu.dma_semaphore, #tpu.memory_space<semaphore_mem>>) {add = true}
      } else {
      }
      %mul3A_261 = arith.constant 6 : i32
      %mul3A_262 = arith.muli %mul3A_261, %scan3A_56 : i32
      %add3A_263 = arith.constant 4 : i32
      %add3A_264 = arith.addi %mul3A_262, %add3A_263 : i32
      %ge3A_265 = arith.constant 0 : i32
      %ge3A_266 = arith.cmpi sge, %add3A_264, %ge3A_265 : i32
      %mul3A_267 = arith.constant 32 : i32
      %mul3A_268 = arith.muli %add3A_264, %mul3A_267 : i32
      %add3A_269 = arith.addi %mul3A_268, %add3A : i32
      %lt3A_270 = arith.constant 2500 : i32
      %lt3A_271 = arith.cmpi slt, %add3A_269, %lt3A_270 : i32
      %and3A_272 = arith.andi %ge3A_266, %lt3A_271 : i1
      %convert_element_type3A_273 = arith.extui %and3A_272 : i1 to i32
      %cond3A_274 = arith.constant 0 : i32
      %cond3A_275 = arith.cmpi ne, %convert_element_type3A_273, %cond3A_274 : i32
      scf.if %cond3A_275 {
        %dma_wait3A_365 = arith.constant 0 : i32
        %dma_wait3A_366 = tpu.memref_slice %arg4[%dma_wait3A_365] : memref<6400000xi32, #tpu.memory_space<hbm>> -> memref<2560xi32, #tpu.memory_space<hbm>>
        %dma_wait3A_367 = arith.constant 0 : i32
        %dma_wait3A_368 = tpu.memref_slice %arg4[%dma_wait3A_367] : memref<6400000xi32, #tpu.memory_space<hbm>> -> memref<2560xi32, #tpu.memory_space<hbm>>
        tpu.wait_dma2 semaphore(%arg21 : memref<!tpu.dma_semaphore, #tpu.memory_space<semaphore_mem>>) src(%dma_wait3A_368 : memref<2560xi32, #tpu.memory_space<hbm>>) dst(%arg12 : memref<2560xi32, #tpu.memory_space<vmem>>)
        %dma_wait3A_369 = arith.constant 0 : i32
        %dma_wait3A_370 = tpu.memref_slice %arg6[%dma_wait3A_369] : memref<6400000xi32, #tpu.memory_space<hbm>> -> memref<2560xi32, #tpu.memory_space<hbm>>
        %dma_wait3A_371 = arith.constant 0 : i32
        %dma_wait3A_372 = tpu.memref_slice %arg6[%dma_wait3A_371] : memref<6400000xi32, #tpu.memory_space<hbm>> -> memref<2560xi32, #tpu.memory_space<hbm>>
        tpu.wait_dma2 semaphore(%arg21 : memref<!tpu.dma_semaphore, #tpu.memory_space<semaphore_mem>>) src(%dma_wait3A_372 : memref<2560xi32, #tpu.memory_space<hbm>>) dst(%arg14 : memref<2560xi32, #tpu.memory_space<vmem>>)
        %dma_wait3A_373 = arith.constant 0 : i32
        %dma_wait3A_374 = tpu.memref_slice %arg5[%dma_wait3A_373] : memref<6400000xi32, #tpu.memory_space<hbm>> -> memref<2560xi32, #tpu.memory_space<hbm>>
        %dma_wait3A_375 = arith.constant 0 : i32
        %dma_wait3A_376 = tpu.memref_slice %arg5[%dma_wait3A_375] : memref<6400000xi32, #tpu.memory_space<hbm>> -> memref<2560xi32, #tpu.memory_space<hbm>>
        tpu.wait_dma2 semaphore(%arg21 : memref<!tpu.dma_semaphore, #tpu.memory_space<semaphore_mem>>) src(%dma_wait3A_376 : memref<2560xi32, #tpu.memory_space<hbm>>) dst(%arg17 : memref<2560xi32, #tpu.memory_space<vmem>>)
      } else {
      }
      %sub3A_276 = arith.constant 2 : i32
      %sub3A_277 = arith.subi %add3A_264, %sub3A_276 : i32
      %ge3A_278 = arith.constant 0 : i32
      %ge3A_279 = arith.cmpi sge, %sub3A_277, %ge3A_278 : i32
      %mul3A_280 = arith.constant 32 : i32
      %mul3A_281 = arith.muli %sub3A_277, %mul3A_280 : i32
      %add3A_282 = arith.addi %mul3A_281, %add3A : i32
      %lt3A_283 = arith.constant 2500 : i32
      %lt3A_284 = arith.cmpi slt, %add3A_282, %lt3A_283 : i32
      %and3A_285 = arith.andi %ge3A_279, %lt3A_284 : i1
      %convert_element_type3A_286 = arith.extui %and3A_285 : i1 to i32
      %cond3A_287 = arith.constant 0 : i32
      %cond3A_288 = arith.cmpi ne, %convert_element_type3A_286, %cond3A_287 : i32
      scf.if %cond3A_288 {
        %dma_wait3A_365 = arith.constant 0 : i32
        %dma_wait3A_366 = tpu.memref_slice %arg26[%dma_wait3A_365] : memref<102400xf32, #tpu.memory_space<vmem_shared>> -> memref<102400xf32, #tpu.memory_space<vmem_shared>>
        tpu.wait_indirect_dma semaphore(%arg25 : memref<!tpu.dma_semaphore, #tpu.memory_space<semaphore_mem>>) src(%arg19 : memref<2560xf32, #tpu.memory_space<vmem>>) dst(%dma_wait3A_366 : memref<102400xf32, #tpu.memory_space<vmem_shared>>)
      } else {
      }
      %add3A_289 = arith.constant 1 : i32
      %add3A_290 = arith.addi %add3A_264, %add3A_289 : i32
      %ge3A_291 = arith.constant 0 : i32
      %ge3A_292 = arith.cmpi sge, %add3A_290, %ge3A_291 : i32
      %mul3A_293 = arith.constant 32 : i32
      %mul3A_294 = arith.muli %add3A_290, %mul3A_293 : i32
      %add3A_295 = arith.addi %mul3A_294, %add3A : i32
      %lt3A_296 = arith.constant 2500 : i32
      %lt3A_297 = arith.cmpi slt, %add3A_295, %lt3A_296 : i32
      %and3A_298 = arith.andi %ge3A_292, %lt3A_297 : i1
      %convert_element_type3A_299 = arith.extui %and3A_298 : i1 to i32
      %cond3A_300 = arith.constant 0 : i32
      %cond3A_301 = arith.cmpi ne, %convert_element_type3A_299, %cond3A_300 : i32
      scf.if %cond3A_301 {
        %add3A_365 = arith.constant 1 : i32
        %add3A_366 = arith.addi %add3A_264, %add3A_365 : i32
        %mul3A_367 = arith.constant 32 : i32
        %mul3A_368 = arith.muli %add3A_366, %mul3A_367 : i32
        %add3A_369 = arith.addi %mul3A_368, %add3A : i32
        %mul3A_370 = arith.constant 2560 : i32
        %mul3A_371 = arith.muli %add3A_369, %mul3A_370 : i32
        %dma_start3A_372 = tpu.memref_slice %arg4[%mul3A_371] : memref<6400000xi32, #tpu.memory_space<hbm>> -> memref<2560xi32, #tpu.memory_space<hbm>>
        %dma_start3A_373 = tpu.memref_slice %arg4[%mul3A_371] : memref<6400000xi32, #tpu.memory_space<hbm>> -> memref<2560xi32, #tpu.memory_space<hbm>>
        tpu.enqueue_dma source(%dma_start3A_373 : memref<2560xi32, #tpu.memory_space<hbm>>) target(%arg13 : memref<2560xi32, #tpu.memory_space<vmem>>) target_semaphore(%arg22 : memref<!tpu.dma_semaphore, #tpu.memory_space<semaphore_mem>>)
        %dma_start3A_374 = tpu.memref_slice %arg6[%mul3A_371] : memref<6400000xi32, #tpu.memory_space<hbm>> -> memref<2560xi32, #tpu.memory_space<hbm>>
        %dma_start3A_375 = tpu.memref_slice %arg6[%mul3A_371] : memref<6400000xi32, #tpu.memory_space<hbm>> -> memref<2560xi32, #tpu.memory_space<hbm>>
        tpu.enqueue_dma source(%dma_start3A_375 : memref<2560xi32, #tpu.memory_space<hbm>>) target(%arg15 : memref<2560xi32, #tpu.memory_space<vmem>>) target_semaphore(%arg22 : memref<!tpu.dma_semaphore, #tpu.memory_space<semaphore_mem>>)
        %dma_start3A_376 = tpu.memref_slice %arg5[%mul3A_371] : memref<6400000xi32, #tpu.memory_space<hbm>> -> memref<2560xi32, #tpu.memory_space<hbm>>
        %dma_start3A_377 = tpu.memref_slice %arg5[%mul3A_371] : memref<6400000xi32, #tpu.memory_space<hbm>> -> memref<2560xi32, #tpu.memory_space<hbm>>
        tpu.enqueue_dma source(%dma_start3A_377 : memref<2560xi32, #tpu.memory_space<hbm>>) target(%arg18 : memref<2560xi32, #tpu.memory_space<vmem>>) target_semaphore(%arg22 : memref<!tpu.dma_semaphore, #tpu.memory_space<semaphore_mem>>)
      } else {
      }
      %ge3A_302 = arith.constant 0 : i32
      %ge3A_303 = arith.cmpi sge, %add3A_264, %ge3A_302 : i32
      %mul3A_304 = arith.constant 32 : i32
      %mul3A_305 = arith.muli %add3A_264, %mul3A_304 : i32
      %add3A_306 = arith.addi %mul3A_305, %add3A : i32
      %lt3A_307 = arith.constant 2500 : i32
      %lt3A_308 = arith.cmpi slt, %add3A_306, %lt3A_307 : i32
      %and3A_309 = arith.andi %ge3A_303, %lt3A_308 : i1
      %convert_element_type3A_310 = arith.extui %and3A_309 : i1 to i32
      %cond3A_311 = arith.constant 0 : i32
      %cond3A_312 = arith.cmpi ne, %convert_element_type3A_310, %cond3A_311 : i32
      scf.if %cond3A_312 {
        %parallel_loop3A_365 = arith.constant 0 : i32
        %parallel_loop3A_366 = arith.constant 2560 : i32
        %parallel_loop3A_367 = arith.constant 16 : i32
        scf.for %parallel_loop3A_370 = %parallel_loop3A_365 to %parallel_loop3A_366 step %parallel_loop3A_367  : i32 {
          %parallel_loop3A_371 = arith.index_cast %parallel_loop3A_370 : i32 to index
          %parallel_loop3A_372 = tpu.vector_load %arg12[%parallel_loop3A_371] {strides = array<i32>} : memref<2560xi32, #tpu.memory_space<vmem>>, vector<16xi32>,
          %parallel_loop3A_373 = arith.index_cast %parallel_loop3A_370 : i32 to index
          %parallel_loop3A_374 = tpu.vector_load %arg14[%parallel_loop3A_373] {strides = array<i32>} : memref<2560xi32, #tpu.memory_space<vmem>>, vector<16xi32>,
          %parallel_loop3A_375 = tpu.vector_load_idx %arg10[%parallel_loop3A_372] : memref<100000xf32, #tpu.memory_space<vmem>>[vector<16xi32>], vector<16xf32>,
          %parallel_loop3A_376 = tpu.vector_load_idx %arg11[%parallel_loop3A_374] : memref<1024xf32, #tpu.memory_space<vmem>>[vector<16xi32>], vector<16xf32>,
          %parallel_loop3A_377 = arith.mulf %parallel_loop3A_375, %parallel_loop3A_376 : vector<16xf32>
          %parallel_loop3A_378 = arith.index_cast %parallel_loop3A_370 : i32 to index
          %parallel_loop3A_379 = tpu.vector_load %arg19[%parallel_loop3A_378] {strides = array<i32>} : memref<2560xf32, #tpu.memory_space<vmem>>, vector<16xf32>,
          tpu.vector_store %arg19[%parallel_loop3A_378], %parallel_loop3A_377 {strides = array<i32>} : memref<2560xf32, #tpu.memory_space<vmem>>, vector<16xf32>,
        } {sc.loop_unroll_factor = 4 : i64, sc.parallel_access}
        %dma_start3A_368 = arith.constant 0 : i32
        %dma_start3A_369 = tpu.memref_slice %arg26[%dma_start3A_368] : memref<102400xf32, #tpu.memory_space<vmem_shared>> -> memref<102400xf32, #tpu.memory_space<vmem_shared>>
        tpu.enqueue_indirect_dma source(%arg19 : memref<2560xf32, #tpu.memory_space<vmem>>) target(%dma_start3A_369 : memref<102400xf32, #tpu.memory_space<vmem_shared>>) offsets(%arg17 : memref<2560xi32, #tpu.memory_space<vmem>>) semaphore(%arg24 : memref<!tpu.dma_semaphore, #tpu.memory_space<semaphore_mem>>) {add = true}
      } else {
      }
      %mul3A_313 = arith.constant 6 : i32
      %mul3A_314 = arith.muli %mul3A_313, %scan3A_56 : i32
      %add3A_315 = arith.constant 5 : i32
      %add3A_316 = arith.addi %mul3A_314, %add3A_315 : i32
      %ge3A_317 = arith.constant 0 : i32
      %ge3A_318 = arith.cmpi sge, %add3A_316, %ge3A_317 : i32
      %mul3A_319 = arith.constant 32 : i32
      %mul3A_320 = arith.muli %add3A_316, %mul3A_319 : i32
      %add3A_321 = arith.addi %mul3A_320, %add3A : i32
      %lt3A_322 = arith.constant 2500 : i32
      %lt3A_323 = arith.cmpi slt, %add3A_321, %lt3A_322 : i32
      %and3A_324 = arith.andi %ge3A_318, %lt3A_323 : i1
      %convert_element_type3A_325 = arith.extui %and3A_324 : i1 to i32
      %cond3A_326 = arith.constant 0 : i32
      %cond3A_327 = arith.cmpi ne, %convert_element_type3A_325, %cond3A_326 : i32
      scf.if %cond3A_327 {
        %dma_wait3A_365 = arith.constant 0 : i32
        %dma_wait3A_366 = tpu.memref_slice %arg4[%dma_wait3A_365] : memref<6400000xi32, #tpu.memory_space<hbm>> -> memref<2560xi32, #tpu.memory_space<hbm>>
        %dma_wait3A_367 = arith.constant 0 : i32
        %dma_wait3A_368 = tpu.memref_slice %arg4[%dma_wait3A_367] : memref<6400000xi32, #tpu.memory_space<hbm>> -> memref<2560xi32, #tpu.memory_space<hbm>>
        tpu.wait_dma2 semaphore(%arg22 : memref<!tpu.dma_semaphore, #tpu.memory_space<semaphore_mem>>) src(%dma_wait3A_368 : memref<2560xi32, #tpu.memory_space<hbm>>) dst(%arg13 : memref<2560xi32, #tpu.memory_space<vmem>>)
        %dma_wait3A_369 = arith.constant 0 : i32
        %dma_wait3A_370 = tpu.memref_slice %arg6[%dma_wait3A_369] : memref<6400000xi32, #tpu.memory_space<hbm>> -> memref<2560xi32, #tpu.memory_space<hbm>>
        %dma_wait3A_371 = arith.constant 0 : i32
        %dma_wait3A_372 = tpu.memref_slice %arg6[%dma_wait3A_371] : memref<6400000xi32, #tpu.memory_space<hbm>> -> memref<2560xi32, #tpu.memory_space<hbm>>
        tpu.wait_dma2 semaphore(%arg22 : memref<!tpu.dma_semaphore, #tpu.memory_space<semaphore_mem>>) src(%dma_wait3A_372 : memref<2560xi32, #tpu.memory_space<hbm>>) dst(%arg15 : memref<2560xi32, #tpu.memory_space<vmem>>)
        %dma_wait3A_373 = arith.constant 0 : i32
        %dma_wait3A_374 = tpu.memref_slice %arg5[%dma_wait3A_373] : memref<6400000xi32, #tpu.memory_space<hbm>> -> memref<2560xi32, #tpu.memory_space<hbm>>
        %dma_wait3A_375 = arith.constant 0 : i32
        %dma_wait3A_376 = tpu.memref_slice %arg5[%dma_wait3A_375] : memref<6400000xi32, #tpu.memory_space<hbm>> -> memref<2560xi32, #tpu.memory_space<hbm>>
        tpu.wait_dma2 semaphore(%arg22 : memref<!tpu.dma_semaphore, #tpu.memory_space<semaphore_mem>>) src(%dma_wait3A_376 : memref<2560xi32, #tpu.memory_space<hbm>>) dst(%arg18 : memref<2560xi32, #tpu.memory_space<vmem>>)
      } else {
      }
      %sub3A_328 = arith.constant 2 : i32
      %sub3A_329 = arith.subi %add3A_316, %sub3A_328 : i32
      %ge3A_330 = arith.constant 0 : i32
      %ge3A_331 = arith.cmpi sge, %sub3A_329, %ge3A_330 : i32
      %mul3A_332 = arith.constant 32 : i32
      %mul3A_333 = arith.muli %sub3A_329, %mul3A_332 : i32
      %add3A_334 = arith.addi %mul3A_333, %add3A : i32
      %lt3A_335 = arith.constant 2500 : i32
      %lt3A_336 = arith.cmpi slt, %add3A_334, %lt3A_335 : i32
      %and3A_337 = arith.andi %ge3A_331, %lt3A_336 : i1
      %convert_element_type3A_338 = arith.extui %and3A_337 : i1 to i32
      %cond3A_339 = arith.constant 0 : i32
      %cond3A_340 = arith.cmpi ne, %convert_element_type3A_338, %cond3A_339 : i32
      scf.if %cond3A_340 {
        %dma_wait3A_365 = arith.constant 0 : i32
        %dma_wait3A_366 = tpu.memref_slice %arg26[%dma_wait3A_365] : memref<102400xf32, #tpu.memory_space<vmem_shared>> -> memref<102400xf32, #tpu.memory_space<vmem_shared>>
        tpu.wait_indirect_dma semaphore(%arg23 : memref<!tpu.dma_semaphore, #tpu.memory_space<semaphore_mem>>) src(%arg20 : memref<2560xf32, #tpu.memory_space<vmem>>) dst(%dma_wait3A_366 : memref<102400xf32, #tpu.memory_space<vmem_shared>>)
      } else {
      }
      %add3A_341 = arith.constant 1 : i32
      %add3A_342 = arith.addi %add3A_316, %add3A_341 : i32
      %ge3A_343 = arith.constant 0 : i32
      %ge3A_344 = arith.cmpi sge, %add3A_342, %ge3A_343 : i32
      %mul3A_345 = arith.constant 32 : i32
      %mul3A_346 = arith.muli %add3A_342, %mul3A_345 : i32
      %add3A_347 = arith.addi %mul3A_346, %add3A : i32
      %lt3A_348 = arith.constant 2500 : i32
      %lt3A_349 = arith.cmpi slt, %add3A_347, %lt3A_348 : i32
      %and3A_350 = arith.andi %ge3A_344, %lt3A_349 : i1
      %convert_element_type3A_351 = arith.extui %and3A_350 : i1 to i32
      %cond3A_352 = arith.constant 0 : i32
      %cond3A_353 = arith.cmpi ne, %convert_element_type3A_351, %cond3A_352 : i32
      scf.if %cond3A_353 {
        %add3A_365 = arith.constant 1 : i32
        %add3A_366 = arith.addi %add3A_316, %add3A_365 : i32
        %mul3A_367 = arith.constant 32 : i32
        %mul3A_368 = arith.muli %add3A_366, %mul3A_367 : i32
        %add3A_369 = arith.addi %mul3A_368, %add3A : i32
        %mul3A_370 = arith.constant 2560 : i32
        %mul3A_371 = arith.muli %add3A_369, %mul3A_370 : i32
        %dma_start3A_372 = tpu.memref_slice %arg4[%mul3A_371] : memref<6400000xi32, #tpu.memory_space<hbm>> -> memref<2560xi32, #tpu.memory_space<hbm>>
        %dma_start3A_373 = tpu.memref_slice %arg4[%mul3A_371] : memref<6400000xi32, #tpu.memory_space<hbm>> -> memref<2560xi32, #tpu.memory_space<hbm>>
        tpu.enqueue_dma source(%dma_start3A_373 : memref<2560xi32, #tpu.memory_space<hbm>>) target(%arg12 : memref<2560xi32, #tpu.memory_space<vmem>>) target_semaphore(%arg21 : memref<!tpu.dma_semaphore, #tpu.memory_space<semaphore_mem>>)
        %dma_start3A_374 = tpu.memref_slice %arg6[%mul3A_371] : memref<6400000xi32, #tpu.memory_space<hbm>> -> memref<2560xi32, #tpu.memory_space<hbm>>
        %dma_start3A_375 = tpu.memref_slice %arg6[%mul3A_371] : memref<6400000xi32, #tpu.memory_space<hbm>> -> memref<2560xi32, #tpu.memory_space<hbm>>
        tpu.enqueue_dma source(%dma_start3A_375 : memref<2560xi32, #tpu.memory_space<hbm>>) target(%arg14 : memref<2560xi32, #tpu.memory_space<vmem>>) target_semaphore(%arg21 : memref<!tpu.dma_semaphore, #tpu.memory_space<semaphore_mem>>)
        %dma_start3A_376 = tpu.memref_slice %arg5[%mul3A_371] : memref<6400000xi32, #tpu.memory_space<hbm>> -> memref<2560xi32, #tpu.memory_space<hbm>>
        %dma_start3A_377 = tpu.memref_slice %arg5[%mul3A_371] : memref<6400000xi32, #tpu.memory_space<hbm>> -> memref<2560xi32, #tpu.memory_space<hbm>>
        tpu.enqueue_dma source(%dma_start3A_377 : memref<2560xi32, #tpu.memory_space<hbm>>) target(%arg16 : memref<2560xi32, #tpu.memory_space<vmem>>) target_semaphore(%arg21 : memref<!tpu.dma_semaphore, #tpu.memory_space<semaphore_mem>>)
      } else {
      }
      %ge3A_354 = arith.constant 0 : i32
      %ge3A_355 = arith.cmpi sge, %add3A_316, %ge3A_354 : i32
      %mul3A_356 = arith.constant 32 : i32
      %mul3A_357 = arith.muli %add3A_316, %mul3A_356 : i32
      %add3A_358 = arith.addi %mul3A_357, %add3A : i32
      %lt3A_359 = arith.constant 2500 : i32
      %lt3A_360 = arith.cmpi slt, %add3A_358, %lt3A_359 : i32
      %and3A_361 = arith.andi %ge3A_355, %lt3A_360 : i1
      %convert_element_type3A_362 = arith.extui %and3A_361 : i1 to i32
      %cond3A_363 = arith.constant 0 : i32
      %cond3A_364 = arith.cmpi ne, %convert_element_type3A_362, %cond3A_363 : i32
      scf.if %cond3A_364 {
        %parallel_loop3A_365 = arith.constant 0 : i32
        %parallel_loop3A_366 = arith.constant 2560 : i32
        %parallel_loop3A_367 = arith.constant 16 : i32
        scf.for %parallel_loop3A_370 = %parallel_loop3A_365 to %parallel_loop3A_366 step %parallel_loop3A_367  : i32 {
          %parallel_loop3A_371 = arith.index_cast %parallel_loop3A_370 : i32 to index
          %parallel_loop3A_372 = tpu.vector_load %arg13[%parallel_loop3A_371] {strides = array<i32>} : memref<2560xi32, #tpu.memory_space<vmem>>, vector<16xi32>,
          %parallel_loop3A_373 = arith.index_cast %parallel_loop3A_370 : i32 to index
          %parallel_loop3A_374 = tpu.vector_load %arg15[%parallel_loop3A_373] {strides = array<i32>} : memref<2560xi32, #tpu.memory_space<vmem>>, vector<16xi32>,
          %parallel_loop3A_375 = tpu.vector_load_idx %arg10[%parallel_loop3A_372] : memref<100000xf32, #tpu.memory_space<vmem>>[vector<16xi32>], vector<16xf32>,
          %parallel_loop3A_376 = tpu.vector_load_idx %arg11[%parallel_loop3A_374] : memref<1024xf32, #tpu.memory_space<vmem>>[vector<16xi32>], vector<16xf32>,
          %parallel_loop3A_377 = arith.mulf %parallel_loop3A_375, %parallel_loop3A_376 : vector<16xf32>
          %parallel_loop3A_378 = arith.index_cast %parallel_loop3A_370 : i32 to index
          %parallel_loop3A_379 = tpu.vector_load %arg20[%parallel_loop3A_378] {strides = array<i32>} : memref<2560xf32, #tpu.memory_space<vmem>>, vector<16xf32>,
          tpu.vector_store %arg20[%parallel_loop3A_378], %parallel_loop3A_377 {strides = array<i32>} : memref<2560xf32, #tpu.memory_space<vmem>>, vector<16xf32>,
        } {sc.loop_unroll_factor = 4 : i64, sc.parallel_access}
        %dma_start3A_368 = arith.constant 0 : i32
        %dma_start3A_369 = tpu.memref_slice %arg26[%dma_start3A_368] : memref<102400xf32, #tpu.memory_space<vmem_shared>> -> memref<102400xf32, #tpu.memory_space<vmem_shared>>
        tpu.enqueue_indirect_dma source(%arg20 : memref<2560xf32, #tpu.memory_space<vmem>>) target(%dma_start3A_369 : memref<102400xf32, #tpu.memory_space<vmem_shared>>) offsets(%arg18 : memref<2560xi32, #tpu.memory_space<vmem>>) semaphore(%arg25 : memref<!tpu.dma_semaphore, #tpu.memory_space<semaphore_mem>>) {add = true}
      } else {
      }
    }
    %scan3A_42 = arith.constant 14 : i32
    %barrier3A_43 = arith.constant 0 : index
    tpu.barrier barrier_id(%barrier3A_43)
    %mul3A_44 = arith.constant 6400 : i32
    %mul3A_45 = arith.muli %arg1, %mul3A_44 : i32
    "tpu.region"() ({
      %run_scoped3A = tpu.sem_alloc : memref<!tpu.dma_semaphore, #tpu.memory_space<semaphore_mem>>
      %dma_start3A_56 = arith.constant 0 : i32
      %dma_start3A_57 = tpu.memref_slice %arg10[%dma_start3A_56] : memref<100000xf32, #tpu.memory_space<vmem>> -> memref<6400xf32, #tpu.memory_space<vmem>>
      %dma_start3A_58 = tpu.memref_slice %arg26[%mul3A_45] : memref<102400xf32, #tpu.memory_space<vmem_shared>> -> memref<6400xf32, #tpu.memory_space<vmem_shared>>
      %dma_start3A_59 = arith.constant 0 : i32
      %dma_start3A_60 = tpu.memref_slice %arg10[%dma_start3A_59] : memref<100000xf32, #tpu.memory_space<vmem>> -> memref<6400xf32, #tpu.memory_space<vmem>>
      %dma_start3A_61 = tpu.memref_slice %arg26[%mul3A_45] : memref<102400xf32, #tpu.memory_space<vmem_shared>> -> memref<6400xf32, #tpu.memory_space<vmem_shared>>
      tpu.enqueue_dma source(%dma_start3A_61 : memref<6400xf32, #tpu.memory_space<vmem_shared>>) target(%dma_start3A_60 : memref<6400xf32, #tpu.memory_space<vmem>>) target_semaphore(%run_scoped3A : memref<!tpu.dma_semaphore, #tpu.memory_space<semaphore_mem>>)
      %dma_wait3A_62 = arith.constant 0 : i32
      %dma_wait3A_63 = tpu.memref_slice %arg10[%dma_wait3A_62] : memref<100000xf32, #tpu.memory_space<vmem>> -> memref<6400xf32, #tpu.memory_space<vmem>>
      %dma_wait3A_64 = tpu.memref_slice %arg26[%mul3A_45] : memref<102400xf32, #tpu.memory_space<vmem_shared>> -> memref<6400xf32, #tpu.memory_space<vmem_shared>>
      %dma_wait3A_65 = arith.constant 0 : i32
      %dma_wait3A_66 = tpu.memref_slice %arg10[%dma_wait3A_65] : memref<100000xf32, #tpu.memory_space<vmem>> -> memref<6400xf32, #tpu.memory_space<vmem>>
      %dma_wait3A_67 = tpu.memref_slice %arg26[%mul3A_45] : memref<102400xf32, #tpu.memory_space<vmem_shared>> -> memref<6400xf32, #tpu.memory_space<vmem_shared>>
      tpu.wait_dma2 semaphore(%run_scoped3A : memref<!tpu.dma_semaphore, #tpu.memory_space<semaphore_mem>>) src(%dma_wait3A_67 : memref<6400xf32, #tpu.memory_space<vmem_shared>>) dst(%dma_wait3A_66 : memref<6400xf32, #tpu.memory_space<vmem>>)
      tpu.yield
    }) : () -> ()
    %eq3A_46 = arith.constant 0 : i32
    %eq3A_47 = arith.cmpi eq, %arg0, %eq3A_46 : i32
    %convert_element_type3A_48 = arith.extui %eq3A_47 : i1 to i32
    %cond3A_49 = arith.constant 0 : i32
    %cond3A_50 = arith.cmpi ne, %convert_element_type3A_48, %cond3A_49 : i32
    scf.if %cond3A_50 {
      %mul3A_56 = arith.constant 6400 : i32
      %mul3A_57 = arith.muli %arg1, %mul3A_56 : i32
      "tpu.region"() ({
        %run_scoped3A = tpu.sem_alloc : memref<!tpu.dma_semaphore, #tpu.memory_space<semaphore_mem>>
        %dma_start3A_58 = arith.constant 0 : i32
        %dma_start3A_59 = tpu.memref_slice %arg10[%dma_start3A_58] : memref<100000xf32, #tpu.memory_space<vmem>> -> memref<6400xf32, #tpu.memory_space<vmem>>
        %dma_start3A_60 = tpu.memref_slice %arg8[%mul3A_57] : memref<102400xf32, #tpu.memory_space<hbm>> -> memref<6400xf32, #tpu.memory_space<hbm>>
        %dma_start3A_61 = tpu.memref_slice %arg8[%mul3A_57] : memref<102400xf32, #tpu.memory_space<hbm>> -> memref<6400xf32, #tpu.memory_space<hbm>>
        %dma_start3A_62 = arith.constant 0 : i32
        %dma_start3A_63 = tpu.memref_slice %arg10[%dma_start3A_62] : memref<100000xf32, #tpu.memory_space<vmem>> -> memref<6400xf32, #tpu.memory_space<vmem>>
        tpu.enqueue_dma source(%dma_start3A_63 : memref<6400xf32, #tpu.memory_space<vmem>>) target(%dma_start3A_61 : memref<6400xf32, #tpu.memory_space<hbm>>) target_semaphore(%run_scoped3A : memref<!tpu.dma_semaphore, #tpu.memory_space<semaphore_mem>>)
        %dma_wait3A_64 = arith.constant 0 : i32
        %dma_wait3A_65 = tpu.memref_slice %arg10[%dma_wait3A_64] : memref<100000xf32, #tpu.memory_space<vmem>> -> memref<6400xf32, #tpu.memory_space<vmem>>
        %dma_wait3A_66 = tpu.memref_slice %arg8[%mul3A_57] : memref<102400xf32, #tpu.memory_space<hbm>> -> memref<6400xf32, #tpu.memory_space<hbm>>
        %dma_wait3A_67 = tpu.memref_slice %arg8[%mul3A_57] : memref<102400xf32, #tpu.memory_space<hbm>> -> memref<6400xf32, #tpu.memory_space<hbm>>
        %dma_wait3A_68 = arith.constant 0 : i32
        %dma_wait3A_69 = tpu.memref_slice %arg10[%dma_wait3A_68] : memref<100000xf32, #tpu.memory_space<vmem>> -> memref<6400xf32, #tpu.memory_space<vmem>>
        tpu.wait_dma2 semaphore(%run_scoped3A : memref<!tpu.dma_semaphore, #tpu.memory_space<semaphore_mem>>) src(%dma_wait3A_69 : memref<6400xf32, #tpu.memory_space<vmem>>) dst(%dma_wait3A_67 : memref<6400xf32, #tpu.memory_space<hbm>>)
        tpu.yield
      }) : () -> ()
    } else {
    }
    %eq3A_51 = arith.constant 1 : i32
    %eq3A_52 = arith.cmpi eq, %arg0, %eq3A_51 : i32
    %convert_element_type3A_53 = arith.extui %eq3A_52 : i1 to i32
    %cond3A_54 = arith.constant 0 : i32
    %cond3A_55 = arith.cmpi ne, %convert_element_type3A_53, %cond3A_54 : i32
    scf.if %cond3A_55 {
      %mul3A_56 = arith.constant 6400 : i32
      %mul3A_57 = arith.muli %arg1, %mul3A_56 : i32
      "tpu.region"() ({
        %run_scoped3A = tpu.sem_alloc : memref<!tpu.dma_semaphore, #tpu.memory_space<semaphore_mem>>
        %dma_start3A_58 = arith.constant 0 : i32
        %dma_start3A_59 = tpu.memref_slice %arg10[%dma_start3A_58] : memref<100000xf32, #tpu.memory_space<vmem>> -> memref<6400xf32, #tpu.memory_space<vmem>>
        %dma_start3A_60 = tpu.memref_slice %arg9[%mul3A_57] : memref<102400xf32, #tpu.memory_space<hbm>> -> memref<6400xf32, #tpu.memory_space<hbm>>
        %dma_start3A_61 = tpu.memref_slice %arg9[%mul3A_57] : memref<102400xf32, #tpu.memory_space<hbm>> -> memref<6400xf32, #tpu.memory_space<hbm>>
        %dma_start3A_62 = arith.constant 0 : i32
        %dma_start3A_63 = tpu.memref_slice %arg10[%dma_start3A_62] : memref<100000xf32, #tpu.memory_space<vmem>> -> memref<6400xf32, #tpu.memory_space<vmem>>
        tpu.enqueue_dma source(%dma_start3A_63 : memref<6400xf32, #tpu.memory_space<vmem>>) target(%dma_start3A_61 : memref<6400xf32, #tpu.memory_space<hbm>>) target_semaphore(%run_scoped3A : memref<!tpu.dma_semaphore, #tpu.memory_space<semaphore_mem>>)
        %dma_wait3A_64 = arith.constant 0 : i32
        %dma_wait3A_65 = tpu.memref_slice %arg10[%dma_wait3A_64] : memref<100000xf32, #tpu.memory_space<vmem>> -> memref<6400xf32, #tpu.memory_space<vmem>>
        %dma_wait3A_66 = tpu.memref_slice %arg9[%mul3A_57] : memref<102400xf32, #tpu.memory_space<hbm>> -> memref<6400xf32, #tpu.memory_space<hbm>>
        %dma_wait3A_67 = tpu.memref_slice %arg9[%mul3A_57] : memref<102400xf32, #tpu.memory_space<hbm>> -> memref<6400xf32, #tpu.memory_space<hbm>>
        %dma_wait3A_68 = arith.constant 0 : i32
        %dma_wait3A_69 = tpu.memref_slice %arg10[%dma_wait3A_68] : memref<100000xf32, #tpu.memory_space<vmem>> -> memref<6400xf32, #tpu.memory_space<vmem>>
        tpu.wait_dma2 semaphore(%run_scoped3A : memref<!tpu.dma_semaphore, #tpu.memory_space<semaphore_mem>>) src(%dma_wait3A_69 : memref<6400xf32, #tpu.memory_space<vmem>>) dst(%dma_wait3A_67 : memref<6400xf32, #tpu.memory_space<hbm>>)
        tpu.yield
      }) : () -> ()
    } else {
    }
    return
  }
}

module attributes {stable_mosaic.version = 14 : i64} {
  func.func @_add_body(%arg0: memref<800x128xf32, #tpu.memory_space<vmem>>, %arg1: memref<800x128xf32, #tpu.memory_space<vmem>>, %arg2: memref<800x128xf32, #tpu.memory_space<vmem>>) attributes {dimension_semantics = [], scalar_prefetch = 0 : i64, scratch_operands = 0 : i64, tpu.core_type = #tpu.core_type<tc>} {
    %get3A = arith.constant 0 : index
    %get3A_0 = arith.constant 0 : index
    %get3A_1 = vector.load %arg0[%get3A, %get3A_0] : memref<800x128xf32, #tpu.memory_space<vmem>>, vector<800x128xf32>
    %get3A_2 = arith.constant 0 : index
    %get3A_3 = arith.constant 0 : index
    %get3A_4 = vector.load %arg1[%get3A_2, %get3A_3] : memref<800x128xf32, #tpu.memory_space<vmem>>, vector<800x128xf32>
    %add3A = arith.addf %get3A_1, %get3A_4 : vector<800x128xf32>
    %swap3A = arith.constant 0 : index
    %swap3A_5 = arith.constant 0 : index
    %swap3A_6 = vector.load %arg2[%swap3A, %swap3A_5] : memref<800x128xf32, #tpu.memory_space<vmem>>, vector<800x128xf32>
    tpu.vector_store %arg2[%swap3A, %swap3A_5], %add3A {strides = array<i32>} : memref<800x128xf32, #tpu.memory_space<vmem>>, vector<800x128xf32>,
    return
  }
}

</mosaic_0001>

<sc_bundles>
// kernel: kernel.4.cloned.1.call-start
scs
__scs_entry_jumppad:
0x0: {  	(pc) =	sbr.rel $0x88, $3  }
0x1: {  	(tag) =	ssettag $0x0;
	lr =	simm.s32 $0x1  }
0x2: {  	[smem:$0x3F9B] =	sst lr;
	_ =	strace $0xD0000000  }
0x3: {  	_ = 	snop  }
0x4: {  	_ = 	snop  }
0x5: {  	_ = 	snop  }
0x6: {  	_ = 	snop  }
0x7: {  	_ = 	snop  }
__scs_overlays_trampoline_lowered:
0x8: {  	[smem:$0x3FAA] =	sst s0  }
0x9: {  	[smem:$0x3FAB] =	sst s1  }
0xa: {  	[smem:$0x3FAC] =	sst s2  }
0xb: {  	[smem:$0x3FAD] =	sst s3  }
0xc: {  	[smem:$0x3FAE] =	sst s4  }
0xd: {  	[smem:$0x3FAF] =	sst s5  }
0xe: {  	[smem:$0x3FB0] =	sst s6  }
0xf: {  	[smem:$0x3FB1] =	sst s7  }
0x10: {  	[smem:$0x3FB2] =	sst s8  }
0x11: {  	[smem:$0x3FB3] =	sst s9;
	s0 =	simm.s32 @!p0 $0x0  }
0x12: {  	s1 =	sld [smem:$0x3F99];
	s0 =	simm.s32 @p0 $0x1  }
0x13: {  	[smem:$0x3FB4] =	sst s0;
	s0 =	simm.s32 @!p1 $0x0  }
0x14: {  	s2 =	sld [smem:$0x3F98];
	s0 =	simm.s32 @p1 $0x1  }
0x15: {  	[smem:$0x3FB5] =	sst s0;
	s0 =	simm.s32 @!p2 $0x0  }
0x16: {  	s3 =	sld [smem:$0x3FDB];
	s0 =	simm.s32 @p2 $0x1  }
0x17: {  	s4 =	simm.s32 $0x1BF5;
	[smem:$0x3FB7] =	sst s0  }
0x18: {  	s0 =	sld [smem:$0x3F9A];
	_ =	swait.ge [sflag:s4], $0x0  }
0x19: {  	s7 =	sld [smem:$0x3F9B]  }
0x1a: {  	s8 =	sadd.s32 $0xFFFFE003, lr  }
0x1b: {  	s9 =	sadd.s32 $0xFFFFFEF7, lr;
	s5 =	simm.s32 $0xFFFFFFFF;
	p2 =	slt.u32 s8, $0xFFFFF086  }
0x1c: {  	p1 =	slt.u32 s9, $0xF7A;
	s5 =	simm.s32 @!p2 $0x0  }
0x1d: {  	s5 =	simm.s32 @p1 $0x1;
	p0 =	seq.s32 s7, s2  }
0x1e: {  	s7 =	smul.u32 @!p0 $0xF7A, s2;
	p2 =	seq.s32 @!p0 s5, $0x0  }
0x1f: {  	s9 =	smul.u32 $0xF7A, s1;
	s8 =	simm.s32 @!p0 $0x1BF5;
	p2 =	por !p2, p0  }
0x20: {  	[sflag:s8] =	ssyncset.s32 @!p0 $0xFFFFF086;
	s6 =	sadd.s32 @!p0 s3, s7;
	s7 =	simm.s32 @!p0 $0x108  }
0x21: {  	s3 =	sadd.s32 s3, s9;
	s6 =	sadd.s32 @!p0 $0x88, s6;
	s7 =	simm.s32 @p2 $0x1082  }
0x22: {  	[simem:s7], [sflag:s8] =	dma.local @!p0 [hbm:s6], $0xF7A  }
0x23: {  	s9 =	sor.u32 $0xD0000000, s2;
	s6 =	simm.s32 $0x108;
	_ =	swait.ge @!p0 [sflag:s8], $0x0  }
0x24: {  	s3 =	sadd.s32 $0x88, s3;
	s6 =	simm.s32 @!p1 $0x1082;
	[sflag:s4] =	ssyncset.s32 $0xFFFFF086  }
0x25: {  	[simem:s6], [sflag:s4] =	dma.local [hbm:s3], $0xF7A  }
0x26: {  	[smem:$0x3F9B] =	sst s1;
	(tag) =	ssettag s2;
	_ =	strace s9  }
0x27: {  	s1 =	sld [smem:$0x3FAB]  }
0x28: {  	s2 =	sld [smem:$0x3FAC]  }
0x29: {  	s4 =	sld [smem:$0x3FAE]  }
0x2a: {  	p0 =	seq.s32 s5, $0x0;
	s5 =	sld [smem:$0x3FAF]  }
0x2b: {  	s6 =	sld [smem:$0x3FB0]  }
0x2c: {  	s7 =	sld [smem:$0x3FB1]  }
0x2d: {  	s3 =	simm.s32 $0x108;
	s8 =	sld [smem:$0x3FB2]  }
0x2e: {  	s3 =	simm.s32 @!p0 $0x1082;
	s9 =	sld [smem:$0x3FB3]  }
0x2f: {  	lr =	sadd.s32 s0, s3;
	s0 =	sld [smem:$0x3FAA]  }
0x30: {  	s3 =	sld [smem:$0x3FAD]  }
0x31: {  	[smem:$0x3FB6] =	sst s10  }
0x32: {  	s10 =	sld [smem:$0x3FB4];
	_ =	sdelay $0x3  }
0x33: {  	p0 =	seq.s32 s10, $0x1;
	s10 =	sld [smem:$0x3FB6];
	_ =	sdelay $0x3  }
0x34: {  	[smem:$0x3FB6] =	sst s10  }
0x35: {  	s10 =	sld [smem:$0x3FB5];
	_ =	sdelay $0x3  }
0x36: {  	p1 =	seq.s32 s10, $0x1;
	s10 =	sld [smem:$0x3FB6];
	_ =	sdelay $0x3  }
0x37: {  	[smem:$0x3FB6] =	sst s10  }
0x38: {  	s10 =	sld [smem:$0x3FB7]  }
0x39: {  	_ = 	snop;
	(pc) =	sbr.ind lr, $3  }
0x3a: {  	_ = 	snop  }
0x3b: {  	_ = 	snop  }
0x3c: {  	p2 =	seq.s32 s10, $0x1;
	s10 =	sld [smem:$0x3FB6]  }
0x3d: {  	_ =	shalt  }
0x3e: {  	_ =	shalt  }
0x3f: {  	_ =	shalt  }
0x40: {  	_ =	shalt  }
0x41: {  	_ =	shalt  }
0x42: {  	_ =	shalt  }
0x43: {  	_ =	shalt  }
0x44: {  	_ =	shalt  }
0x45: {  	_ =	shalt  }
0x46: {  	_ =	shalt  }
0x47: {  	_ =	shalt  }
0x48: {  	_ =	shalt  }
0x49: {  	_ =	shalt  }
0x4a: {  	_ =	shalt  }
0x4b: {  	_ =	shalt  }
0x4c: {  	_ =	shalt  }
0x4d: {  	_ =	shalt  }
0x4e: {  	_ =	shalt  }
0x4f: {  	_ =	shalt  }
0x50: {  	_ =	shalt  }
0x51: {  	_ =	shalt  }
0x52: {  	_ =	shalt  }
0x53: {  	_ =	shalt  }
0x54: {  	_ =	shalt  }
0x55: {  	_ =	shalt  }
0x56: {  	_ =	shalt  }
0x57: {  	_ =	shalt  }
0x58: {  	_ =	shalt  }
0x59: {  	_ =	shalt  }
0x5a: {  	_ =	shalt  }
0x5b: {  	_ =	shalt  }
0x5c: {  	_ =	shalt  }
0x5d: {  	_ =	shalt  }
0x5e: {  	_ =	shalt  }
0x5f: {  	_ =	shalt  }
0x60: {  	_ =	shalt  }
0x61: {  	_ =	shalt  }
0x62: {  	_ =	shalt  }
0x63: {  	_ =	shalt  }
0x64: {  	_ =	shalt  }
0x65: {  	_ =	shalt  }
0x66: {  	_ =	shalt  }
0x67: {  	_ =	shalt  }
0x68: {  	_ =	shalt  }
0x69: {  	_ =	shalt  }
0x6a: {  	_ =	shalt  }
0x6b: {  	_ =	shalt  }
0x6c: {  	_ =	shalt  }
0x6d: {  	_ =	shalt  }
0x6e: {  	_ =	shalt  }
0x6f: {  	_ =	shalt  }
0x70: {  	_ =	shalt  }
0x71: {  	_ =	shalt  }
0x72: {  	_ =	shalt  }
0x73: {  	_ =	shalt  }
0x74: {  	_ =	shalt  }
0x75: {  	_ =	shalt  }
0x76: {  	_ =	shalt  }
0x77: {  	_ =	shalt  }
0x78: {  	_ =	shalt  }
0x79: {  	_ =	shalt  }
0x7a: {  	_ =	shalt  }
0x7b: {  	_ =	shalt  }
0x7c: {  	_ =	shalt  }
0x7d: {  	_ =	shalt  }
0x7e: {  	_ =	shalt  }
0x7f: {  	_ =	shalt  }
0x80: {  	_ =	shalt  }
0x81: {  	_ =	shalt  }
0x82: {  	_ =	shalt  }
0x83: {  	_ =	shalt  }
0x84: {  	_ =	shalt  }
0x85: {  	_ =	shalt  }
0x86: {  	_ =	shalt  }
0x87: {  	_ =	shalt  }
.Lfunc_end0:
.L_simem_size_0:
called_computation_lowered:
.L_overlay_start_0:
0x88: {  	s2 =	sld [smem:$0x3FD9]  }
0x89: {  	s3 =	sld [smem:$0x3FFE];
	_ =	sdelay $0x1  }
0x8a: {  	s1 =	srdreg.scid  }
0x8b: {  	s0 =	sand.u32 $0x1, s1  }
0x8c: {  	s17 =	sshll.u32 s0, $0xA;
	s2 =	sadd.s32 s3, s2  }
0x8d: {  	s2 =	sadd.s32 s2, s17  }
0x8e: {  	[smem:$0x3FC2] =	sst s2  }
0x8f: {  	_ = 	snop  }
0x90: {  	s2 =	sld [smem:$0x3FC8]  }
0x91: {  	s18 =	sld [smem:$0x3FC7]  }
0x92: {  	s4 =	sld [smem:$0x3FC6]  }
0x93: {  	s5 =	sld [smem:$0x3FC5]  }
0x94: {  	s6 =	sld [smem:$0x3FD0];
	(tm) =	ssettm $0x1  }
0x95: {  	s7 =	sld [smem:$0x3FFB];
	_ =	sdelay $0x3  }
0x96: {  	_ =	strace s7  }
0x97: {  	s7 =	sld [smem:$0x3FFC];
	_ =	sdelay $0x3  }
0x98: {  	_ =	strace s7  }
0x99: {  	s7 =	sld [smem:$0x3FFD];
	_ =	sdelay $0x3  }
0x9a: {  	_ =	strace s7  }
0x9b: {  	_ =	strace $0x8FFFFFFF  }
0x9c: {  	s19 =	sld [smem:$0x3FDB];
	_ =	sdelay $0x1  }
0x9d: {  	s8 =	simm.s32 $_scs_section_size  }
0x9e: {  	s9 =	simm.s32 $_size__tile_overlayer_lowered;
	s10 =	simm.s32 $_tile_overlayer_lowered  }
0x9f: {  	s22 =	simm.s32 $0x1BFF;
	s21 =	sshll.u32 s10, $0x1;
	s7 =	sadd.s32 s8, s19  }
0xa0: {  	s11 =	simm.s32 $0x0;
	s20 =	sshll.u32 s9, $0x1;
	s9 =	sadd.s32 s21, s7  }
0xa1: {  	[timem:s11], [sflag:s22] =	dma.local [hbm:s9], s20  }
0xa2: {  	_ =	swait.ge [sflag:s22], s20  }
0xa3: {  	s8 =	ssub.s32 $0x0, s20;
	[sflag:s22] =	ssyncset.done $0x0  }
0xa4: {  	[sflag:s22] =	ssyncadd.s32 s8;
	_ =	sdelay $0x1  }
0xa5: {  	s23 =	simm.s32 $0x1B8B  }
0xa6: {  	_ =	swait.ge [sflag:s23], $0x1  }
0xa7: {  	[sflag:s23] =	ssyncset.done $0x0  }
0xa8: {  	s25 =	simm.s32 $0x1B8E;
	s24 =	sld [smem:$0x3FFE];
	[sflag:s23] =	ssyncadd.s32 $0xFFFFFFFF  }
0xa9: {  	s26 =	simm.s32 $execute0_lowered;
	[smem:$0x3FD2] =	sst s25  }
0xaa: {  	s9 =	sshll.u32 s26, $0x1;
	_ =	strace $0x80000046;
	[dreg:$0x1] =	wrdreg $0xFFFFFFFF  }
0xab: {  	s28 =	simm.s32 $_size_execute0_lowered;
	s7 =	sadd.s32 s7, s9;
	[dreg:$0x0] =	wrdreg $0x0  }
0xac: {  	s9 =	sshll.u32 s28, $0x1;
	[dreg:$0x2] =	wrdreg s7  }
0xad: {  	[dreg:$0x3] =	wrdreg s9  }
0xae: {  	[dreg:$0x4] =	wrdreg $0xC0  }
0xaf: {  	_ =	task [dreg:s11], $0x5FFFF  }
0xb0: {  	[dreg:$0x1] =	wrdreg $0xFFFFFFFF  }
0xb1: {  	[dreg:$0x0] =	wrdreg $0x60  }
0xb2: {  	[dreg:$0x2] =	wrdreg s24  }
0xb3: {  	[dreg:$0x3] =	wrdreg s2  }
0xb4: {  	[dreg:$0x4] =	wrdreg s18  }
0xb5: {  	[dreg:$0x5] =	wrdreg s4  }
0xb6: {  	[dreg:$0x6] =	wrdreg s5  }
0xb7: {  	[dreg:$0x7] =	wrdreg s6  }
0xb8: {  	[dreg:$0x8] =	wrdreg $0x1E5000  }
0xb9: {  	[dreg:$0x9] =	wrdreg $0x9  }
0xba: {  	_ =	task.clear_ibuf [dreg:s11], $0xAFFFF;
	_ =	strace $0x90000046  }
0xbb: {  	s29 =	simm.s32 $0x9;
	_ =	strace $0x80000048  }
0xbc: {  	_ =	swait.ge [sflag:s29], $0x1  }
0xbd: {  	[sflag:s29] =	ssyncadd.s32 $0xFFFFFFFF  }
0xbe: {  	_ =	strace $0x90000048  }
0xbf: {  	_ =	sfence  }
0xc0: {  	s30 =	sld [smem:$0x0];
	_ =	sdelay $0x2  }
0xc1: {  	s31 =	sshll.u32 s1, $0xD;
	s1 =	sshrl.u32 s1, $0x2  }
0xc2: {  	s3 =	sand.u32 $0x4000, s31;
	s1 =	sadd.s32 s1, s30  }
0xc3: {  	s0 =	sor.u32 s3, s0;
	s1 =	sshll.u32 s1, $0x11  }
0xc4: {  	s0 =	sor.u32 s1, s0  }
0xc5: {  	s0 =	sadd.s32 $0x8F2B, s0  }
0xc6: {  	[sflag:s0] =	ssyncadd.remote.s32 $0x1  }
0xc7: {  	_ =	sfence.sel $0xFFFF  }
0xc8: {  	[dreg:$0x0] =	wrdreg $0xFFFFFFFF;
	(pc) =	sbr.abs _section_cstart, $3  }
0xc9: {  	[dreg:$0x1] =	wrdreg $0xFFFFFFFF  }
0xca: {  	_ =	task.clear_ibuf [dreg:s11], $0x2FFFF;
	_ =	strace $0x9FFFFFFF  }
0xcb: {  	(tm) =	ssettm $0x7FFFFFFF  }
tec
execute0_lowered:
.L_overlay_start_1:
0x0: {  	(tag) =	ssettag $0x1  }
0x1: {  	s0 =	rddreg [dreg:$0x0]  }
0x2: {  	s2 =	rddreg [dreg:$0x2]  }
0x3: {  	s3 =	rddreg [dreg:$0x3]  }
0x4: {  	s4 =	rddreg [dreg:$0x4]  }
0x5: {  	s1 =	rddreg [dreg:$0x5]  }
0x6: {  	s5 =	rddreg [dreg:$0x6]  }
0x7: {  	s6 =	srdreg.scid;
	s7 =	simm.s32 $0x0;
	s15 =	stileid.u32  }
0x8: {  	s30 =	simm.s32 $0x18700;
	s31 =	simm.s32 $0x1C700;
	s12 =	smul.u32 $0x6400, s15  }
0x9: {  	s6 =	sand.u32 $0x1, s6;
	[smem:$0x7FF] =	sst s7;
	s13 =	smul.u32 $0x1900, s15  }
0xa: {  	s11 =	sadd.s32 $0x800, s0;
	s20 =	smul.u32 $0x1400, s15;
	s23 =	sadd.s32 $0x17700, s5  }
0xb: {  	s24 =	sadd.s32 $0x186A0, s5;
	_ =	strace $0x80000047;
	[dreg:$0x8] =	wrdreg s11  }
0xc: {  	s8 =	sshll.u32 s6, $0x4;
	s9 =	ssub.s32 $0x2, s6;
	[dreg:$0xe] =	wrdreg s23  }
0xd: {  	p0 =	seq.s32 s6, $0x0;
	s11 =	simm.s32 $0x3A00;
	[dreg:$0xf] =	wrdreg s24  }
0xe: {  	s8 =	sor.u32 s15, s8;
	s16 =	sshrl.u32 s9, $0x1;
	s19 =	sshrl.u32 s12, $0x2  }
0xf: {  	s11 =	simm.s32 @!p0 $0x6C00;
	s25 =	sshrl.u32 s13, $0x3;
	p0 =	sne.s32 s6, $0x0  }
0x10: {  	s6 =	simm.s32 $0x1B300;
	s12 =	simm.s32 $0x1BD00;
	s10 =	smul.u32 $0x140, s8  }
0x11: {  	s9 =	ssub.s32 s9, s16;
	s14 =	sadd.s32 s19, s5;
	s0 =	sadd.s32 s11, s0  }
0x12: {  	s23 =	sor.u32 $0x40, s8;
	s24 =	sor.u32 $0x60, s8;
	p2 =	seq.s32 @!p0 s15, $0xF  }
0x13: {  	s28 =	sor.u32 $0xA0, s8;
	s29 =	sor.u32 $0xC0, s8;
	s11 =	simm.s32 $0x3  }
0x14: {  	s15 =	simm.s32 $0x1DB00;
	s16 =	simm.s32 $0x0;
	s21 =	sadd.s32 $0xA00, s14  }
0x15: {  	s22 =	sadd.s32 $0x1400, s14;
	s0 =	sadd.s32 s0, s25;
	[dreg:$0xc] =	wrdreg s21  }
0x16: {  	s26 =	smax.u32 s9, $0x1;
	p1 =	por !p2, p0;
	[dreg:$0xd] =	wrdreg s22  }
0x17: {  	p2 =	por p2, p0;
	s9 =	simm.s32 $0xA00;
	[dreg:$0x12] =	wrdreg s0  }
0x18: {  	s17 =	sadd.s32 s2, s10;
	s18 =	sadd.s32 s4, s10;
	[dreg:$0x13] =	wrdreg s26  }
.Ltmp0:
0x19: {  	s10 =	sadd.s32 s3, s10;
	[dreg:$0x9] =	wrdreg s17;
	(pc) =	sbr.rel .LBB2_1-.Ltmp0, $4  }
0x1a: {  	s26 =	sor.u32 $0x80, s8;
	[dreg:$0xb] =	wrdreg s10;
	s10 =	sshrl.u32 s20, $0x3  }
0x1b: {  	s0 =	simm.s32 $0x4;
	[dreg:$0xa] =	wrdreg s18;
	s1 =	sadd.s32 s1, s10  }
0x1c: {  	s17 =	sadd.s32 s13, s5;
	[dreg:$0x10] =	wrdreg s1;
	s1 =	sadd.s32 $0x140, s1  }
0x1d: {  	v0 =	vimm.f32 $0.0e+00;
	s10 =	simm.s32 $0x1D100;
	[dreg:$0x11] =	wrdreg s1;
	s1 =	simm.s32 $0x6  }
.LBB2_29:
0x1e: {  	[bflag:$0x0] =	sbarrier.arrive $0xFFFF  }
0x1f: {  	[tilespmem:s7], [sflag:$0x6] =	stream.linear.gather [spmem:s17], $0x1900, $0x38;
	[tilespmem:$0x1FE00] =	vst v63  }
0x20: {  	_ =	swait.ge [sflag:s1], $0x1900  }
0x21: {  	[sflag:s1] =	ssyncset.done $0x0  }
0x22: {  	s18 =	rddreg [dreg:$0x12];
	[sflag:s1] =	ssyncadd.s32 $0xFFFFE700  }
0x23: {  	[hbm4b:s18+s7] =	stream.linear.scatter [tilespmem:s7], [sflag:$0x6], $0x1900, $0x38;
	[tilespmem:$0x1FE00] =	vst v63  }
0x24: {  	_ =	swait.ge [sflag:s1], $0x1900  }
0x25: {  	s16 =	sadd.s32 $0x1, s16;
	s25 =	rddreg [dreg:$0x13]  }
0x26: {  	p3 =	sne.s32 s16, s25  }
.Ltmp1:
0x27: {  	_ = 	snop;
	(pc) =	sbr.rel @!p3 .LBB2_30-.Ltmp1, $3  }
0x28: {  	_ =	sdelay $0x1  }
0x29: {  	[sflag:s1] =	ssyncset.done $0x0  }
0x2a: {  	[sflag:s1] =	ssyncadd.s32 $0xFFFFE700  }
.LBB2_1:
0x2b: {  	s18 =	rddreg [dreg:$0x8]  }
0x2c: {  	[tilespmem:s7], [sflag:$0x4] =	stream.linear.gather [hbm4b:s18+s7], $0x18700, $0x38;
	[tilespmem:$0x1FE00] =	vst v63  }
0x2d: {  	s19 =	rddreg [dreg:$0x1]  }
0x2e: {  	[tilespmem:s30], [sflag:$0x4] =	stream.linear.gather [hbm4b:s19+s7], $0x400, $0x38;
	[tilespmem:$0x1FE00] =	vst v63  }
0x2f: {  	s20 =	rddreg [dreg:$0x9];
	s19 =	simm.s32 $0x18B00  }
0x30: {  	[tilespmem:s19], [sflag:$0x1] =	stream.linear.gather [hbm4b:s20+s7], $0xA00, $0x38;
	[tilespmem:$0x1FE00] =	vst v63  }
0x31: {  	s21 =	rddreg [dreg:$0xa];
	s22 =	simm.s32 $0x19F00  }
0x32: {  	[tilespmem:s22], [sflag:$0x1] =	stream.linear.gather [hbm4b:s21+s7], $0xA00, $0x38;
	[tilespmem:$0x1FE00] =	vst v63  }
0x33: {  	s25 =	rddreg [dreg:$0xb]  }
0x34: {  	[tilespmem:s6], [sflag:$0x1] =	stream.linear.gather [hbm4b:s25+s7], $0xA00, $0x38;
	[tilespmem:$0x1FE00] =	vst v63  }
0x35: {  	s18 =	simm.s32 $0x0;
	s19 =	simm.s32 $0x1D100;
	[tilespmem:s10+$0x0] =	vst v0  }
.LBB2_2:
0x36: {  	s18 =	sadd.s32 $0x10, s18  }
0x37: {  	p3 =	slt.u32 s18, $0x9F0  }
.Ltmp2:
0x38: {  	_ = 	snop;
	(pc) =	sbr.rel @p3 .LBB2_2-.Ltmp2, $3  }
0x39: {  	_ =	sdelay $0x1  }
0x3a: {  	s19 =	sadd.s32 $0x10, s19  }
0x3b: {  	[tilespmem:s19+$0x0] =	vst v0  }
0x3c: {  	_ =	swait.ge [sflag:s0], $0x18700  }
0x3d: {  	[sflag:s0] =	ssyncset.done $0x0  }
0x3e: {  	[sflag:s0] =	ssyncadd.s32 $0xFFFE7900  }
0x3f: {  	_ =	swait.ge [sflag:s0], $0x400  }
0x40: {  	[sflag:s0] =	ssyncset.done $0x0  }
0x41: {  	s18 =	simm.s32 @p0 $0x1D100;
	s19 =	simm.s32 @p0 $0x6;
	[sflag:s0] =	ssyncadd.s32 $0xFFFFFC00  }
0x42: {  	[spmem:s14] =	stream.linear.scatter @p0 [tilespmem:s18], [sflag:$0x6], $0xA00, $0x38;
	[tilespmem:$0x1FE00] =	vst v63  }
0x43: {  	_ =	swait.ge @p0 [sflag:s19], $0xA00  }
0x44: {  	[sflag:s19] =	ssyncset.done @p0 $0x0  }
0x45: {  	s20 =	rddreg [dreg:$0xc];
	[sflag:s19] =	ssyncadd.s32 @p0 $0xFFFFF600  }
0x46: {  	[spmem:s20] =	stream.linear.scatter @p0 [tilespmem:s18], [sflag:$0x6], $0xA00, $0x38;
	[tilespmem:$0x1FE00] =	vst v63  }
0x47: {  	_ =	swait.ge @p0 [sflag:s19], $0xA00  }
0x48: {  	[sflag:s19] =	ssyncset.done @p0 $0x0  }
0x49: {  	s20 =	rddreg [dreg:$0xd];
	[sflag:s19] =	ssyncadd.s32 @p0 $0xFFFFF600  }
0x4a: {  	[spmem:s20] =	stream.linear.scatter @p0 [tilespmem:s18], [sflag:$0x6], $0x500, $0x38;
	[tilespmem:$0x1FE00] =	vst v63  }
0x4b: {  	_ =	swait.ge @p0 [sflag:s19], $0x500  }
0x4c: {  	[sflag:s19] =	ssyncset.done @p0 $0x0  }
0x4d: {  	s18 =	simm.s32 @!p1 $0x17700;
	[sflag:s19] =	ssyncadd.s32 @p0 $0xFFFFFB00;
	s19 =	rddreg [dreg:$0xe]  }
0x4e: {  	[spmem:s19] =	stream.linear.scatter @!p1 [tilespmem:s18], [sflag:$0x6], $0xFA0, $0x38;
	[tilespmem:$0x1FE00] =	vst v63  }
0x4f: {  	s18 =	simm.s32 @!p1 $0x6  }
0x50: {  	_ =	swait.ge @!p1 [sflag:s18], $0xFA0  }
0x51: {  	[sflag:s18] =	ssyncset.done @!p1 $0x0  }
0x52: {  	s19 =	simm.s32 @!p1 $0x1D100;
	s20 =	rddreg [dreg:$0xf];
	[sflag:s18] =	ssyncadd.s32 @!p1 $0xFFFFF060  }
0x53: {  	[spmem:s20] =	stream.linear.scatter @!p1 [tilespmem:s19], [sflag:$0x6], $0x960, $0x38;
	[tilespmem:$0x1FE00] =	vst v63  }
0x54: {  	_ =	swait.ge @!p1 [sflag:s18], $0x960  }
0x55: {  	[sflag:s18] =	ssyncset.done @!p1 $0x0  }
0x56: {  	[sflag:s18] =	ssyncadd.s32 @!p1 $0xFFFFF6A0;
	s18 =	simm.s32 @!p2 $0x6  }
0x57: {  	[spmem:s17] =	stream.linear.scatter @!p2 [tilespmem:s13], [sflag:$0x6], $0x1900, $0x38;
	[tilespmem:$0x1FE00] =	vst v63  }
0x58: {  	_ =	swait.ge @!p2 [sflag:s18], $0x1900  }
0x59: {  	[sflag:s18] =	ssyncset.done @!p2 $0x0  }
0x5a: {  	[sflag:s18] =	ssyncadd.s32 @!p2 $0xFFFFE700  }
0x5b: {  	[bflag:$0x0] =	sbarrier.arrive $0xFFFF  }
0x5c: {  	s18 =	simm.s32 $0x0;
	s22 =	rddreg [dreg:$0x10]  }
0x5d: {  	[tilespmem:s31], [sflag:$0x6] =	stream.linear.gather [hbm4b:s22+s18], $0xA00, $0x38;
	[tilespmem:$0x1FE00] =	vst v63  }
0x5e: {  	_ =	swait.ge [sflag:s1], $0xA00  }
0x5f: {  	[sflag:s1] =	ssyncset.done $0x0  }
0x60: {  	[sflag:s1] =	ssyncadd.s32 $0xFFFFF600  }
0x61: {  	[spmem:s5] =	stream.indirect.scatter [tilespmem:s10], [sflag:$0x3], $0x1, s31, s9, $0xb8;
	[tilespmem:$0x1FE00] =	vst v63  }
0x62: {  	_ =	swait.ge [sflag:s11], $0xA00  }
0x63: {  	[sflag:s11] =	ssyncset.done $0x0  }
0x64: {  	s25 =	rddreg [dreg:$0x11];
	[sflag:s11] =	ssyncadd.s32 $0xFFFFF600  }
0x65: {  	[tilespmem:s31], [sflag:$0x6] =	stream.linear.gather [hbm4b:s25+s18], $0xA00, $0x38;
	[tilespmem:$0x1FE00] =	vst v63  }
0x66: {  	_ =	swait.ge [sflag:s1], $0xA00  }
0x67: {  	[sflag:s1] =	ssyncset.done $0x0  }
0x68: {  	[sflag:s1] =	ssyncadd.s32 $0xFFFFF600  }
0x69: {  	[spmem:s5] =	stream.indirect.scatter [tilespmem:s10], [sflag:$0x3], $0x1, s31, s9, $0xb8;
	[tilespmem:$0x1FE00] =	vst v63  }
.Ltmp3:
0x6a: {  	_ =	swait.ge [sflag:s11], $0xA00;
	(pc) =	sbr.rel .LBB2_4-.Ltmp3, $3  }
0x6b: {  	[sflag:s11] =	ssyncset.done $0x0  }
0x6c: {  	[sflag:s11] =	ssyncadd.s32 $0xFFFFF600  }
0x6d: {  	[bflag:$0x0] =	sbarrier.arrive $0xFFFF;
	_ =	sdelay $0x1  }
.LBB2_28:
0x6e: {  	s18 =	sadd.s32 $0x1, s18  }
0x6f: {  	p3 =	sne.s32 s18, $0xE  }
.Ltmp4:
0x70: {  	_ = 	snop;
	(pc) =	sbr.rel @!p3 .LBB2_29-.Ltmp4, $1  }
0x71: {  	_ =	sdelay $0x3  }
.LBB2_4:
0x72: {  	s19 =	smul.u32 $0xC0, s18;
	_ =	sdelay $0x1  }
0x73: {  	s20 =	sor.u32 s8, s19  }
0x74: {  	p6 =	sgt.u32 s20, $0x9C3  }
0x75: {  	s21 =	simm.s32 @!p6 $0x1  }
0x76: {  	_ =	swait.ge @!p6 [sflag:s21], $0xA00  }
0x77: {  	[sflag:s21] =	ssyncset.done @!p6 $0x0  }
0x78: {  	[sflag:s21] =	ssyncadd.s32 @!p6 $0xFFFFF600  }
0x79: {  	_ =	swait.ge @!p6 [sflag:s21], $0xA00  }
0x7a: {  	[sflag:s21] =	ssyncset.done @!p6 $0x0  }
0x7b: {  	[sflag:s21] =	ssyncadd.s32 @!p6 $0xFFFFF600  }
0x7c: {  	_ =	swait.ge @!p6 [sflag:s21], $0xA00  }
0x7d: {  	p5 =	seq.s32 s18, $0x0;
	s20 =	sor.u32 $0x20, s20;
	[sflag:s21] =	ssyncset.done @!p6 $0x0  }
0x7e: {  	p3 =	sgt.u32 s20, $0x9C3;
	[sflag:s21] =	ssyncadd.s32 @!p6 $0xFFFFF600;
	s21 =	simm.s32 @!p5 $0x4  }
0x7f: {  	s20 =	smul.u32 @!p3 $0x140, s20;
	_ =	swait.ge @!p5 [sflag:s21], $0xA00  }
0x80: {  	s22 =	simm.s32 @!p3 $0x0;
	[sflag:s21] =	ssyncset.done @!p5 $0x0  }
0x81: {  	s25 =	simm.s32 @!p3 $0x19500;
	[sflag:s21] =	ssyncadd.s32 @!p5 $0xFFFFF600;
	s21 =	sadd.s32 @!p3 s2, s20  }
0x82: {  	[tilespmem:s25], [sflag:$0x2] =	stream.linear.gather @!p3 [hbm4b:s21+s22], $0xA00, $0x38;
	[tilespmem:$0x1FE00] =	vst v63  }
.Ltmp5:
0x83: {  	_ = 	snop;
	(pc) =	sbr.rel @p6 .LBB2_8-.Ltmp5, $4  }
0x84: {  	s21 =	sadd.s32 @!p3 s4, s20;
	s25 =	simm.s32 @!p3 $0x1A900  }
0x85: {  	[tilespmem:s25], [sflag:$0x2] =	stream.linear.gather @!p3 [hbm4b:s21+s22], $0xA00, $0x38;
	[tilespmem:$0x1FE00] =	vst v63  }
0x86: {  	s20 =	sadd.s32 @!p3 s3, s20;
	s21 =	simm.s32 @!p3 $0x1BD00  }
0x87: {  	[tilespmem:s21], [sflag:$0x2] =	stream.linear.gather @!p3 [hbm4b:s20+s22], $0xA00, $0x38;
	[tilespmem:$0x1FE00] =	vst v63  }
0x88: {  	s20 =	simm.s32 $0x18B20  }
0x89: {  	s21 =	simm.s32 $0x19F20;
	v1 =	vld [tilespmem:s20+$0x10]  }
0x8a: {  	v2 =	vld [tilespmem:s21+$0x10]  }
0x8b: {  	v3 =	vld [tilespmem:s21+$0xFFFFFFE0]  }
0x8c: {  	v4 =	vld [tilespmem:s20+$0xFFFFFFF0]  }
0x8d: {  	v5 =	vld [tilespmem:s21+$0xFFFFFFF0]  }
0x8e: {  	v6 =	vld [tilespmem:s20+$0x0]  }
0x8f: {  	v7 =	vld [tilespmem:s21+$0x0]  }
0x90: {  	s25 =	simm.s32 $0x18B60;
	v8 =	vld [tilespmem:s20+$0xFFFFFFE0]  }
0x91: {  	v9 =	vld [tilespmem:s25+$0x10]  }
0x92: {  	v12 =	vld [tilespmem:s25+$0xFFFFFFF0]  }
0x93: {  	v14 =	vld [tilespmem:s25+$0x0]  }
0x94: {  	s21 =	simm.s32 $0x19F60;
	v16 =	vld [tilespmem:s25+$0xFFFFFFE0]  }
0x95: {  	v10 =	vld [tilespmem:s21+$0x10]  }
0x96: {  	v11 =	vld [tilespmem:s21+$0xFFFFFFE0]  }
0x97: {  	v13 =	vld [tilespmem:s21+$0xFFFFFFF0]  }
0x98: {  	v15 =	vld [tilespmem:s21+$0x0]  }
0x99: {  	v1 =	vld.idx.msk [tilespmem:v1+s7+$0x0], $0xffff  }
0x9a: {  	v2 =	vld.idx.msk [tilespmem:v2+s30+$0x0], $0xffff  }
0x9b: {  	v3 =	vld.idx.msk [tilespmem:v3+s30+$0x0], $0xffff  }
0x9c: {  	v4 =	vld.idx.msk [tilespmem:v4+s7+$0x0], $0xffff  }
0x9d: {  	v5 =	vld.idx.msk [tilespmem:v5+s30+$0x0], $0xffff  }
0x9e: {  	v6 =	vld.idx.msk [tilespmem:v6+s7+$0x0], $0xffff  }
0x9f: {  	v7 =	vld.idx.msk [tilespmem:v7+s30+$0x0], $0xffff  }
0xa0: {  	v8 =	vld.idx.msk [tilespmem:v8+s7+$0x0], $0xffff  }
0xa1: {  	v9 =	vld.idx.msk [tilespmem:v9+s7+$0x0], $0xffff  }
0xa2: {  	v10 =	vld.idx.msk [tilespmem:v10+s30+$0x0], $0xffff  }
0xa3: {  	v17 =	vmul.f32 v2, v1;
	v1 =	vld.idx.msk [tilespmem:v11+s30+$0x0], $0xffff  }
0xa4: {  	s22 =	simm.s32 $0x1D120;
	v5 =	vmul.f32 v5, v4;
	v2 =	vld.idx.msk [tilespmem:v12+s7+$0x0], $0xffff  }
0xa5: {  	v6 =	vmul.f32 v7, v6;
	v4 =	vld.idx.msk [tilespmem:v13+s30+$0x0], $0xffff;
	[tilespmem:s22+$0x10] =	vst v17  }
0xa6: {  	v7 =	vmul.f32 v3, v8;
	v3 =	vld.idx.msk [tilespmem:v14+s7+$0x0], $0xffff;
	[tilespmem:s22+$0xFFFFFFF0] =	vst v5  }
0xa7: {  	[tilespmem:s22+$0x0] =	vst v6;
	v5 =	vld.idx.msk [tilespmem:v15+s30+$0x0], $0xffff  }
0xa8: {  	s25 =	simm.s32 $0x40;
	s20 =	simm.s32 $0x18BA0;
	[tilespmem:s22+$0xFFFFFFE0] =	vst v7;
	v6 =	vld.idx.msk [tilespmem:v16+s7+$0x0], $0xffff;
	v7 =	vmul.f32 v10, v9  }
.LBB2_6:
0xa9: {  	v8 =	vld [tilespmem:s20+$0x10];
	s21 =	sadd.s32 $0x40, s21;
	s22 =	sadd.s32 $0x40, s22  }
0xaa: {  	s25 =	sadd.s32 $0x40, s25;
	v9 =	vld [tilespmem:s21+$0x10];
	[tilespmem:s22+$0x10] =	vst v7  }
0xab: {  	p4 =	slt.u32 s25, $0x9C0;
	v2 =	vmul.f32 v4, v2;
	v7 =	vld [tilespmem:s21+$0xFFFFFFE0]  }
0xac: {  	v4 =	vld [tilespmem:s20+$0xFFFFFFF0]  }
0xad: {  	v10 =	vld [tilespmem:s21+$0xFFFFFFF0];
	[tilespmem:s22+$0xFFFFFFF0] =	vst v2;
	v2 =	vmul.f32 v5, v3  }
0xae: {  	v1 =	vmul.f32 v1, v6;
	v3 =	vld [tilespmem:s20+$0x0]  }
0xaf: {  	v5 =	vld [tilespmem:s21+$0x0];
	[tilespmem:s22+$0x0] =	vst v2  }
0xb0: {  	v6 =	vld [tilespmem:s20+$0xFFFFFFE0];
	[tilespmem:s22+$0xFFFFFFE0] =	vst v1  }
0xb1: {  	v8 =	vld.idx.msk [tilespmem:v8+s7+$0x0], $0xffff  }
0xb2: {  	v9 =	vld.idx.msk [tilespmem:v9+s30+$0x0], $0xffff  }
0xb3: {  	v1 =	vld.idx.msk [tilespmem:v7+s30+$0x0], $0xffff  }
.Ltmp6:
0xb4: {  	v2 =	vld.idx.msk [tilespmem:v4+s7+$0x0], $0xffff;
	(pc) =	sbr.rel @p4 .LBB2_6-.Ltmp6, $4  }
0xb5: {  	v4 =	vld.idx.msk [tilespmem:v10+s30+$0x0], $0xffff  }
0xb6: {  	v3 =	vld.idx.msk [tilespmem:v3+s7+$0x0], $0xffff  }
0xb7: {  	v5 =	vld.idx.msk [tilespmem:v5+s30+$0x0], $0xffff  }
0xb8: {  	s20 =	sadd.s32 $0x40, s20;
	v7 =	vmul.f32 v9, v8;
	v6 =	vld.idx.msk [tilespmem:v6+s7+$0x0], $0xffff  }
0xb9: {  	_ =	sdelay $0x1  }
0xba: {  	s20 =	sadd.s32 $0x40, s22;
	v2 =	vmul.f32 v4, v2  }
0xbb: {  	[tilespmem:s20+$0x10] =	vst v7;
	v3 =	vmul.f32 v5, v3  }
0xbc: {  	[tilespmem:s20+$0xFFFFFFF0] =	vst v2;
	v1 =	vmul.f32 v1, v6  }
0xbd: {  	[tilespmem:s20+$0x0] =	vst v3  }
0xbe: {  	[tilespmem:s20+$0xFFFFFFE0] =	vst v1;
	s20 =	simm.s32 @!p3 $0x2  }
0xbf: {  	[spmem:s5] =	stream.indirect.scatter.add.f32 [tilespmem:s10], [sflag:$0x3], $0x1, s6, s9, $0xb8;
	[tilespmem:$0x1FE00] =	vst v63  }
0xc0: {  	_ =	swait.ge @!p3 [sflag:s20], $0xA00  }
0xc1: {  	[sflag:s20] =	ssyncset.done @!p3 $0x0  }
0xc2: {  	[sflag:s20] =	ssyncadd.s32 @!p3 $0xFFFFF600  }
0xc3: {  	_ =	swait.ge @!p3 [sflag:s20], $0xA00  }
0xc4: {  	[sflag:s20] =	ssyncset.done @!p3 $0x0  }
0xc5: {  	[sflag:s20] =	ssyncadd.s32 @!p3 $0xFFFFF600  }
0xc6: {  	_ =	swait.ge @!p3 [sflag:s20], $0xA00  }
0xc7: {  	[sflag:s20] =	ssyncset.done @!p3 $0x0  }
0xc8: {  	[sflag:s20] =	ssyncadd.s32 @!p3 $0xFFFFF600  }
.LBB2_8:
0xc9: {  	s21 =	sadd.s32 s23, s19  }
0xca: {  	s20 =	simm.s32 @!p5 $0x5;
	p4 =	sgt.u32 s21, $0x9C3  }
0xcb: {  	_ =	swait.ge @!p5 [sflag:s20], $0xA00;
	s21 =	smul.u32 @!p4 $0x140, s21  }
0xcc: {  	[sflag:s20] =	ssyncset.done @!p5 $0x0;
	s22 =	simm.s32 @!p4 $0x0  }
0xcd: {  	s25 =	simm.s32 @!p4 $0x18B00;
	[sflag:s20] =	ssyncadd.s32 @!p5 $0xFFFFF600;
	s20 =	sadd.s32 @!p4 s2, s21  }
0xce: {  	[tilespmem:s25], [sflag:$0x1] =	stream.linear.gather @!p4 [hbm4b:s20+s22], $0xA00, $0x38;
	[tilespmem:$0x1FE00] =	vst v63  }
.Ltmp7:
0xcf: {  	_ = 	snop;
	(pc) =	sbr.rel @p3 .LBB2_12-.Ltmp7, $4  }
0xd0: {  	s20 =	sadd.s32 @!p4 s4, s21;
	s25 =	simm.s32 @!p4 $0x19F00  }
0xd1: {  	[tilespmem:s25], [sflag:$0x1] =	stream.linear.gather @!p4 [hbm4b:s20+s22], $0xA00, $0x38;
	[tilespmem:$0x1FE00] =	vst v63  }
0xd2: {  	s20 =	sadd.s32 @!p4 s3, s21;
	s21 =	simm.s32 @!p4 $0x1C700  }
0xd3: {  	[tilespmem:s21], [sflag:$0x1] =	stream.linear.gather @!p4 [hbm4b:s20+s22], $0xA00, $0x38;
	[tilespmem:$0x1FE00] =	vst v63  }
0xd4: {  	s20 =	simm.s32 $0x19520  }
0xd5: {  	s21 =	simm.s32 $0x1A920;
	v1 =	vld [tilespmem:s20+$0x10]  }
0xd6: {  	v2 =	vld [tilespmem:s21+$0x10]  }
0xd7: {  	v3 =	vld [tilespmem:s21+$0xFFFFFFE0]  }
0xd8: {  	v4 =	vld [tilespmem:s20+$0xFFFFFFF0]  }
0xd9: {  	v5 =	vld [tilespmem:s21+$0xFFFFFFF0]  }
0xda: {  	v6 =	vld [tilespmem:s20+$0x0]  }
0xdb: {  	v7 =	vld [tilespmem:s21+$0x0]  }
0xdc: {  	s25 =	simm.s32 $0x19560;
	v8 =	vld [tilespmem:s20+$0xFFFFFFE0]  }
0xdd: {  	v9 =	vld [tilespmem:s25+$0x10]  }
0xde: {  	v12 =	vld [tilespmem:s25+$0xFFFFFFF0]  }
0xdf: {  	v14 =	vld [tilespmem:s25+$0x0]  }
0xe0: {  	s21 =	simm.s32 $0x1A960;
	v16 =	vld [tilespmem:s25+$0xFFFFFFE0]  }
0xe1: {  	v10 =	vld [tilespmem:s21+$0x10]  }
0xe2: {  	v11 =	vld [tilespmem:s21+$0xFFFFFFE0]  }
0xe3: {  	v13 =	vld [tilespmem:s21+$0xFFFFFFF0]  }
0xe4: {  	v15 =	vld [tilespmem:s21+$0x0]  }
0xe5: {  	v1 =	vld.idx.msk [tilespmem:v1+s7+$0x0], $0xffff  }
0xe6: {  	v2 =	vld.idx.msk [tilespmem:v2+s30+$0x0], $0xffff  }
0xe7: {  	v3 =	vld.idx.msk [tilespmem:v3+s30+$0x0], $0xffff  }
0xe8: {  	v4 =	vld.idx.msk [tilespmem:v4+s7+$0x0], $0xffff  }
0xe9: {  	v5 =	vld.idx.msk [tilespmem:v5+s30+$0x0], $0xffff  }
0xea: {  	v6 =	vld.idx.msk [tilespmem:v6+s7+$0x0], $0xffff  }
0xeb: {  	v7 =	vld.idx.msk [tilespmem:v7+s30+$0x0], $0xffff  }
0xec: {  	v8 =	vld.idx.msk [tilespmem:v8+s7+$0x0], $0xffff  }
0xed: {  	v9 =	vld.idx.msk [tilespmem:v9+s7+$0x0], $0xffff  }
0xee: {  	v10 =	vld.idx.msk [tilespmem:v10+s30+$0x0], $0xffff  }
0xef: {  	v17 =	vmul.f32 v2, v1;
	v1 =	vld.idx.msk [tilespmem:v11+s30+$0x0], $0xffff  }
0xf0: {  	s22 =	simm.s32 $0x1DB20;
	v5 =	vmul.f32 v5, v4;
	v2 =	vld.idx.msk [tilespmem:v12+s7+$0x0], $0xffff  }
0xf1: {  	v6 =	vmul.f32 v7, v6;
	v4 =	vld.idx.msk [tilespmem:v13+s30+$0x0], $0xffff;
	[tilespmem:s22+$0x10] =	vst v17  }
0xf2: {  	v7 =	vmul.f32 v3, v8;
	v3 =	vld.idx.msk [tilespmem:v14+s7+$0x0], $0xffff;
	[tilespmem:s22+$0xFFFFFFF0] =	vst v5  }
0xf3: {  	[tilespmem:s22+$0x0] =	vst v6;
	v5 =	vld.idx.msk [tilespmem:v15+s30+$0x0], $0xffff  }
0xf4: {  	s25 =	simm.s32 $0x40;
	s20 =	simm.s32 $0x195A0;
	[tilespmem:s22+$0xFFFFFFE0] =	vst v7;
	v6 =	vld.idx.msk [tilespmem:v16+s7+$0x0], $0xffff;
	v7 =	vmul.f32 v10, v9  }
.LBB2_10:
0xf5: {  	v8 =	vld [tilespmem:s20+$0x10];
	s21 =	sadd.s32 $0x40, s21;
	s22 =	sadd.s32 $0x40, s22  }
0xf6: {  	s25 =	sadd.s32 $0x40, s25;
	v9 =	vld [tilespmem:s21+$0x10];
	[tilespmem:s22+$0x10] =	vst v7  }
0xf7: {  	p5 =	slt.u32 s25, $0x9C0;
	v2 =	vmul.f32 v4, v2;
	v7 =	vld [tilespmem:s21+$0xFFFFFFE0]  }
0xf8: {  	v4 =	vld [tilespmem:s20+$0xFFFFFFF0]  }
0xf9: {  	v10 =	vld [tilespmem:s21+$0xFFFFFFF0];
	[tilespmem:s22+$0xFFFFFFF0] =	vst v2;
	v2 =	vmul.f32 v5, v3  }
0xfa: {  	v1 =	vmul.f32 v1, v6;
	v3 =	vld [tilespmem:s20+$0x0]  }
0xfb: {  	v5 =	vld [tilespmem:s21+$0x0];
	[tilespmem:s22+$0x0] =	vst v2  }
0xfc: {  	v6 =	vld [tilespmem:s20+$0xFFFFFFE0];
	[tilespmem:s22+$0xFFFFFFE0] =	vst v1  }
0xfd: {  	v8 =	vld.idx.msk [tilespmem:v8+s7+$0x0], $0xffff  }
0xfe: {  	v9 =	vld.idx.msk [tilespmem:v9+s30+$0x0], $0xffff  }
0xff: {  	v1 =	vld.idx.msk [tilespmem:v7+s30+$0x0], $0xffff  }
.Ltmp8:
0x100: {  	v2 =	vld.idx.msk [tilespmem:v4+s7+$0x0], $0xffff;
	(pc) =	sbr.rel @p5 .LBB2_10-.Ltmp8, $4  }
0x101: {  	v4 =	vld.idx.msk [tilespmem:v10+s30+$0x0], $0xffff  }
0x102: {  	v3 =	vld.idx.msk [tilespmem:v3+s7+$0x0], $0xffff  }
0x103: {  	v5 =	vld.idx.msk [tilespmem:v5+s30+$0x0], $0xffff  }
0x104: {  	s20 =	sadd.s32 $0x40, s20;
	v7 =	vmul.f32 v9, v8;
	v6 =	vld.idx.msk [tilespmem:v6+s7+$0x0], $0xffff  }
0x105: {  	_ =	sdelay $0x1  }
0x106: {  	s20 =	sadd.s32 $0x40, s22;
	v2 =	vmul.f32 v4, v2  }
0x107: {  	[tilespmem:s20+$0x10] =	vst v7;
	v3 =	vmul.f32 v5, v3  }
0x108: {  	[tilespmem:s20+$0xFFFFFFF0] =	vst v2;
	v1 =	vmul.f32 v1, v6  }
0x109: {  	[tilespmem:s20+$0x0] =	vst v3  }
0x10a: {  	[tilespmem:s20+$0xFFFFFFE0] =	vst v1  }
0x10b: {  	[spmem:s5] =	stream.indirect.scatter.add.f32 [tilespmem:s15], [sflag:$0x4], $0x1, s12, s9, $0xb8;
	[tilespmem:$0x1FE00] =	vst v63  }
.LBB2_12:
0x10c: {  	s20 =	simm.s32 @!p4 $0x1  }
0x10d: {  	_ =	swait.ge @!p4 [sflag:s20], $0xA00  }
0x10e: {  	[sflag:s20] =	ssyncset.done @!p4 $0x0  }
0x10f: {  	[sflag:s20] =	ssyncadd.s32 @!p4 $0xFFFFF600  }
0x110: {  	_ =	swait.ge @!p4 [sflag:s20], $0xA00  }
0x111: {  	[sflag:s20] =	ssyncset.done @!p4 $0x0  }
0x112: {  	[sflag:s20] =	ssyncadd.s32 @!p4 $0xFFFFF600  }
0x113: {  	_ =	swait.ge @!p4 [sflag:s20], $0xA00  }
0x114: {  	s21 =	sadd.s32 s24, s19;
	[sflag:s20] =	ssyncset.done @!p4 $0x0  }
0x115: {  	p5 =	sgt.u32 s21, $0x9C3;
	[sflag:s20] =	ssyncadd.s32 @!p4 $0xFFFFF600;
	s20 =	simm.s32 @!p6 $0x3  }
0x116: {  	s21 =	smul.u32 @!p5 $0x140, s21;
	_ =	swait.ge @!p6 [sflag:s20], $0xA00  }
0x117: {  	s22 =	simm.s32 @!p5 $0x0;
	[sflag:s20] =	ssyncset.done @!p6 $0x0  }
0x118: {  	s25 =	simm.s32 @!p5 $0x19500;
	[sflag:s20] =	ssyncadd.s32 @!p6 $0xFFFFF600;
	s20 =	sadd.s32 @!p5 s2, s21  }
0x119: {  	[tilespmem:s25], [sflag:$0x2] =	stream.linear.gather @!p5 [hbm4b:s20+s22], $0xA00, $0x38;
	[tilespmem:$0x1FE00] =	vst v63  }
.Ltmp9:
0x11a: {  	_ = 	snop;
	(pc) =	sbr.rel @p4 .LBB2_16-.Ltmp9, $4  }
0x11b: {  	s20 =	sadd.s32 @!p5 s4, s21;
	s25 =	simm.s32 @!p5 $0x1A900  }
0x11c: {  	[tilespmem:s25], [sflag:$0x2] =	stream.linear.gather @!p5 [hbm4b:s20+s22], $0xA00, $0x38;
	[tilespmem:$0x1FE00] =	vst v63  }
0x11d: {  	s20 =	sadd.s32 @!p5 s3, s21;
	s21 =	simm.s32 @!p5 $0x1B300  }
0x11e: {  	[tilespmem:s21], [sflag:$0x2] =	stream.linear.gather @!p5 [hbm4b:s20+s22], $0xA00, $0x38;
	[tilespmem:$0x1FE00] =	vst v63  }
0x11f: {  	s20 =	simm.s32 $0x18B20  }
0x120: {  	s21 =	simm.s32 $0x19F20;
	v1 =	vld [tilespmem:s20+$0x10]  }
0x121: {  	v2 =	vld [tilespmem:s21+$0x10]  }
0x122: {  	v3 =	vld [tilespmem:s21+$0xFFFFFFE0]  }
0x123: {  	v4 =	vld [tilespmem:s20+$0xFFFFFFF0]  }
0x124: {  	v5 =	vld [tilespmem:s21+$0xFFFFFFF0]  }
0x125: {  	v6 =	vld [tilespmem:s20+$0x0]  }
0x126: {  	v7 =	vld [tilespmem:s21+$0x0]  }
0x127: {  	s25 =	simm.s32 $0x18B60;
	v8 =	vld [tilespmem:s20+$0xFFFFFFE0]  }
0x128: {  	v9 =	vld [tilespmem:s25+$0x10]  }
0x129: {  	v12 =	vld [tilespmem:s25+$0xFFFFFFF0]  }
0x12a: {  	v14 =	vld [tilespmem:s25+$0x0]  }
0x12b: {  	s21 =	simm.s32 $0x19F60;
	v16 =	vld [tilespmem:s25+$0xFFFFFFE0]  }
0x12c: {  	v10 =	vld [tilespmem:s21+$0x10]  }
0x12d: {  	v11 =	vld [tilespmem:s21+$0xFFFFFFE0]  }
0x12e: {  	v13 =	vld [tilespmem:s21+$0xFFFFFFF0]  }
0x12f: {  	v15 =	vld [tilespmem:s21+$0x0]  }
0x130: {  	v1 =	vld.idx.msk [tilespmem:v1+s7+$0x0], $0xffff  }
0x131: {  	v2 =	vld.idx.msk [tilespmem:v2+s30+$0x0], $0xffff  }
0x132: {  	v3 =	vld.idx.msk [tilespmem:v3+s30+$0x0], $0xffff  }
0x133: {  	v4 =	vld.idx.msk [tilespmem:v4+s7+$0x0], $0xffff  }
0x134: {  	v5 =	vld.idx.msk [tilespmem:v5+s30+$0x0], $0xffff  }
0x135: {  	v6 =	vld.idx.msk [tilespmem:v6+s7+$0x0], $0xffff  }
0x136: {  	v7 =	vld.idx.msk [tilespmem:v7+s30+$0x0], $0xffff  }
0x137: {  	v8 =	vld.idx.msk [tilespmem:v8+s7+$0x0], $0xffff  }
0x138: {  	v9 =	vld.idx.msk [tilespmem:v9+s7+$0x0], $0xffff  }
0x139: {  	v10 =	vld.idx.msk [tilespmem:v10+s30+$0x0], $0xffff  }
0x13a: {  	v17 =	vmul.f32 v2, v1;
	v1 =	vld.idx.msk [tilespmem:v11+s30+$0x0], $0xffff  }
0x13b: {  	s22 =	simm.s32 $0x1D120;
	v5 =	vmul.f32 v5, v4;
	v2 =	vld.idx.msk [tilespmem:v12+s7+$0x0], $0xffff  }
0x13c: {  	v6 =	vmul.f32 v7, v6;
	v4 =	vld.idx.msk [tilespmem:v13+s30+$0x0], $0xffff;
	[tilespmem:s22+$0x10] =	vst v17  }
0x13d: {  	v7 =	vmul.f32 v3, v8;
	v3 =	vld.idx.msk [tilespmem:v14+s7+$0x0], $0xffff;
	[tilespmem:s22+$0xFFFFFFF0] =	vst v5  }
0x13e: {  	[tilespmem:s22+$0x0] =	vst v6;
	v5 =	vld.idx.msk [tilespmem:v15+s30+$0x0], $0xffff  }
0x13f: {  	s25 =	simm.s32 $0x40;
	s20 =	simm.s32 $0x18BA0;
	[tilespmem:s22+$0xFFFFFFE0] =	vst v7;
	v6 =	vld.idx.msk [tilespmem:v16+s7+$0x0], $0xffff;
	v7 =	vmul.f32 v10, v9  }
.LBB2_14:
0x140: {  	v8 =	vld [tilespmem:s20+$0x10];
	s21 =	sadd.s32 $0x40, s21;
	s22 =	sadd.s32 $0x40, s22  }
0x141: {  	s25 =	sadd.s32 $0x40, s25;
	v9 =	vld [tilespmem:s21+$0x10];
	[tilespmem:s22+$0x10] =	vst v7  }
0x142: {  	p6 =	slt.u32 s25, $0x9C0;
	v2 =	vmul.f32 v4, v2;
	v7 =	vld [tilespmem:s21+$0xFFFFFFE0]  }
0x143: {  	v4 =	vld [tilespmem:s20+$0xFFFFFFF0]  }
0x144: {  	v10 =	vld [tilespmem:s21+$0xFFFFFFF0];
	[tilespmem:s22+$0xFFFFFFF0] =	vst v2;
	v2 =	vmul.f32 v5, v3  }
0x145: {  	v1 =	vmul.f32 v1, v6;
	v3 =	vld [tilespmem:s20+$0x0]  }
0x146: {  	v5 =	vld [tilespmem:s21+$0x0];
	[tilespmem:s22+$0x0] =	vst v2  }
0x147: {  	v6 =	vld [tilespmem:s20+$0xFFFFFFE0];
	[tilespmem:s22+$0xFFFFFFE0] =	vst v1  }
0x148: {  	v8 =	vld.idx.msk [tilespmem:v8+s7+$0x0], $0xffff  }
0x149: {  	v9 =	vld.idx.msk [tilespmem:v9+s30+$0x0], $0xffff  }
0x14a: {  	v1 =	vld.idx.msk [tilespmem:v7+s30+$0x0], $0xffff  }
.Ltmp10:
0x14b: {  	v2 =	vld.idx.msk [tilespmem:v4+s7+$0x0], $0xffff;
	(pc) =	sbr.rel @p6 .LBB2_14-.Ltmp10, $4  }
0x14c: {  	v4 =	vld.idx.msk [tilespmem:v10+s30+$0x0], $0xffff  }
0x14d: {  	v3 =	vld.idx.msk [tilespmem:v3+s7+$0x0], $0xffff  }
0x14e: {  	v5 =	vld.idx.msk [tilespmem:v5+s30+$0x0], $0xffff  }
0x14f: {  	s20 =	sadd.s32 $0x40, s20;
	v7 =	vmul.f32 v9, v8;
	v6 =	vld.idx.msk [tilespmem:v6+s7+$0x0], $0xffff  }
0x150: {  	_ =	sdelay $0x1  }
0x151: {  	s20 =	sadd.s32 $0x40, s22;
	v2 =	vmul.f32 v4, v2  }
0x152: {  	[tilespmem:s20+$0x10] =	vst v7;
	v3 =	vmul.f32 v5, v3  }
0x153: {  	[tilespmem:s20+$0xFFFFFFF0] =	vst v2;
	v1 =	vmul.f32 v1, v6  }
0x154: {  	[tilespmem:s20+$0x0] =	vst v3  }
0x155: {  	[tilespmem:s20+$0xFFFFFFE0] =	vst v1  }
0x156: {  	[spmem:s5] =	stream.indirect.scatter.add.f32 [tilespmem:s10], [sflag:$0x5], $0x1, s31, s9, $0xb8;
	[tilespmem:$0x1FE00] =	vst v63  }
.LBB2_16:
0x157: {  	s20 =	simm.s32 @!p5 $0x2  }
0x158: {  	_ =	swait.ge @!p5 [sflag:s20], $0xA00  }
0x159: {  	[sflag:s20] =	ssyncset.done @!p5 $0x0  }
0x15a: {  	[sflag:s20] =	ssyncadd.s32 @!p5 $0xFFFFF600  }
0x15b: {  	_ =	swait.ge @!p5 [sflag:s20], $0xA00  }
0x15c: {  	[sflag:s20] =	ssyncset.done @!p5 $0x0  }
0x15d: {  	[sflag:s20] =	ssyncadd.s32 @!p5 $0xFFFFF600  }
0x15e: {  	_ =	swait.ge @!p5 [sflag:s20], $0xA00  }
0x15f: {  	s21 =	sadd.s32 s26, s19;
	[sflag:s20] =	ssyncset.done @!p5 $0x0  }
0x160: {  	p6 =	sgt.u32 s21, $0x9C3;
	[sflag:s20] =	ssyncadd.s32 @!p5 $0xFFFFF600;
	s20 =	simm.s32 @!p3 $0x4  }
0x161: {  	s21 =	smul.u32 @!p6 $0x140, s21;
	_ =	swait.ge @!p3 [sflag:s20], $0xA00  }
0x162: {  	s22 =	simm.s32 @!p6 $0x0;
	[sflag:s20] =	ssyncset.done @!p3 $0x0  }
0x163: {  	s25 =	simm.s32 @!p6 $0x18B00;
	[sflag:s20] =	ssyncadd.s32 @!p3 $0xFFFFF600;
	s20 =	sadd.s32 @!p6 s2, s21  }
0x164: {  	[tilespmem:s25], [sflag:$0x1] =	stream.linear.gather @!p6 [hbm4b:s20+s22], $0xA00, $0x38;
	[tilespmem:$0x1FE00] =	vst v63  }
.Ltmp11:
0x165: {  	_ = 	snop;
	(pc) =	sbr.rel @p5 .LBB2_20-.Ltmp11, $4  }
0x166: {  	s20 =	sadd.s32 @!p6 s4, s21;
	s25 =	simm.s32 @!p6 $0x19F00  }
0x167: {  	[tilespmem:s25], [sflag:$0x1] =	stream.linear.gather @!p6 [hbm4b:s20+s22], $0xA00, $0x38;
	[tilespmem:$0x1FE00] =	vst v63  }
0x168: {  	s20 =	sadd.s32 @!p6 s3, s21;
	s21 =	simm.s32 @!p6 $0x1BD00  }
0x169: {  	[tilespmem:s21], [sflag:$0x1] =	stream.linear.gather @!p6 [hbm4b:s20+s22], $0xA00, $0x38;
	[tilespmem:$0x1FE00] =	vst v63  }
0x16a: {  	s20 =	simm.s32 $0x19520  }
0x16b: {  	s21 =	simm.s32 $0x1A920;
	v1 =	vld [tilespmem:s20+$0x10]  }
0x16c: {  	v2 =	vld [tilespmem:s21+$0x10]  }
0x16d: {  	v3 =	vld [tilespmem:s21+$0xFFFFFFE0]  }
0x16e: {  	v4 =	vld [tilespmem:s20+$0xFFFFFFF0]  }
0x16f: {  	v5 =	vld [tilespmem:s21+$0xFFFFFFF0]  }
0x170: {  	v6 =	vld [tilespmem:s20+$0x0]  }
0x171: {  	v7 =	vld [tilespmem:s21+$0x0]  }
0x172: {  	s25 =	simm.s32 $0x19560;
	v8 =	vld [tilespmem:s20+$0xFFFFFFE0]  }
0x173: {  	v9 =	vld [tilespmem:s25+$0x10]  }
0x174: {  	v12 =	vld [tilespmem:s25+$0xFFFFFFF0]  }
0x175: {  	v14 =	vld [tilespmem:s25+$0x0]  }
0x176: {  	s21 =	simm.s32 $0x1A960;
	v16 =	vld [tilespmem:s25+$0xFFFFFFE0]  }
0x177: {  	v10 =	vld [tilespmem:s21+$0x10]  }
0x178: {  	v11 =	vld [tilespmem:s21+$0xFFFFFFE0]  }
0x179: {  	v13 =	vld [tilespmem:s21+$0xFFFFFFF0]  }
0x17a: {  	v15 =	vld [tilespmem:s21+$0x0]  }
0x17b: {  	v1 =	vld.idx.msk [tilespmem:v1+s7+$0x0], $0xffff  }
0x17c: {  	v2 =	vld.idx.msk [tilespmem:v2+s30+$0x0], $0xffff  }
0x17d: {  	v3 =	vld.idx.msk [tilespmem:v3+s30+$0x0], $0xffff  }
0x17e: {  	v4 =	vld.idx.msk [tilespmem:v4+s7+$0x0], $0xffff  }
0x17f: {  	v5 =	vld.idx.msk [tilespmem:v5+s30+$0x0], $0xffff  }
0x180: {  	v6 =	vld.idx.msk [tilespmem:v6+s7+$0x0], $0xffff  }
0x181: {  	v7 =	vld.idx.msk [tilespmem:v7+s30+$0x0], $0xffff  }
0x182: {  	v8 =	vld.idx.msk [tilespmem:v8+s7+$0x0], $0xffff  }
0x183: {  	v9 =	vld.idx.msk [tilespmem:v9+s7+$0x0], $0xffff  }
0x184: {  	v10 =	vld.idx.msk [tilespmem:v10+s30+$0x0], $0xffff  }
0x185: {  	v17 =	vmul.f32 v2, v1;
	v1 =	vld.idx.msk [tilespmem:v11+s30+$0x0], $0xffff  }
0x186: {  	s22 =	simm.s32 $0x1DB20;
	v5 =	vmul.f32 v5, v4;
	v2 =	vld.idx.msk [tilespmem:v12+s7+$0x0], $0xffff  }
0x187: {  	v6 =	vmul.f32 v7, v6;
	v4 =	vld.idx.msk [tilespmem:v13+s30+$0x0], $0xffff;
	[tilespmem:s22+$0x10] =	vst v17  }
0x188: {  	v7 =	vmul.f32 v3, v8;
	v3 =	vld.idx.msk [tilespmem:v14+s7+$0x0], $0xffff;
	[tilespmem:s22+$0xFFFFFFF0] =	vst v5  }
0x189: {  	[tilespmem:s22+$0x0] =	vst v6;
	v5 =	vld.idx.msk [tilespmem:v15+s30+$0x0], $0xffff  }
0x18a: {  	s25 =	simm.s32 $0x40;
	s20 =	simm.s32 $0x195A0;
	[tilespmem:s22+$0xFFFFFFE0] =	vst v7;
	v6 =	vld.idx.msk [tilespmem:v16+s7+$0x0], $0xffff;
	v7 =	vmul.f32 v10, v9  }
.LBB2_18:
0x18b: {  	v8 =	vld [tilespmem:s20+$0x10];
	s21 =	sadd.s32 $0x40, s21;
	s22 =	sadd.s32 $0x40, s22  }
0x18c: {  	s25 =	sadd.s32 $0x40, s25;
	v9 =	vld [tilespmem:s21+$0x10];
	[tilespmem:s22+$0x10] =	vst v7  }
0x18d: {  	p3 =	slt.u32 s25, $0x9C0;
	v2 =	vmul.f32 v4, v2;
	v7 =	vld [tilespmem:s21+$0xFFFFFFE0]  }
0x18e: {  	v4 =	vld [tilespmem:s20+$0xFFFFFFF0]  }
0x18f: {  	v10 =	vld [tilespmem:s21+$0xFFFFFFF0];
	[tilespmem:s22+$0xFFFFFFF0] =	vst v2;
	v2 =	vmul.f32 v5, v3  }
0x190: {  	v1 =	vmul.f32 v1, v6;
	v3 =	vld [tilespmem:s20+$0x0]  }
0x191: {  	v5 =	vld [tilespmem:s21+$0x0];
	[tilespmem:s22+$0x0] =	vst v2  }
0x192: {  	v6 =	vld [tilespmem:s20+$0xFFFFFFE0];
	[tilespmem:s22+$0xFFFFFFE0] =	vst v1  }
0x193: {  	v8 =	vld.idx.msk [tilespmem:v8+s7+$0x0], $0xffff  }
0x194: {  	v9 =	vld.idx.msk [tilespmem:v9+s30+$0x0], $0xffff  }
0x195: {  	v1 =	vld.idx.msk [tilespmem:v7+s30+$0x0], $0xffff  }
.Ltmp12:
0x196: {  	v2 =	vld.idx.msk [tilespmem:v4+s7+$0x0], $0xffff;
	(pc) =	sbr.rel @p3 .LBB2_18-.Ltmp12, $4  }
0x197: {  	v4 =	vld.idx.msk [tilespmem:v10+s30+$0x0], $0xffff  }
0x198: {  	v3 =	vld.idx.msk [tilespmem:v3+s7+$0x0], $0xffff  }
0x199: {  	v5 =	vld.idx.msk [tilespmem:v5+s30+$0x0], $0xffff  }
0x19a: {  	s20 =	sadd.s32 $0x40, s20;
	v7 =	vmul.f32 v9, v8;
	v6 =	vld.idx.msk [tilespmem:v6+s7+$0x0], $0xffff  }
0x19b: {  	_ =	sdelay $0x1  }
0x19c: {  	s20 =	sadd.s32 $0x40, s22;
	v2 =	vmul.f32 v4, v2  }
0x19d: {  	[tilespmem:s20+$0x10] =	vst v7;
	v3 =	vmul.f32 v5, v3  }
0x19e: {  	[tilespmem:s20+$0xFFFFFFF0] =	vst v2;
	v1 =	vmul.f32 v1, v6  }
0x19f: {  	[tilespmem:s20+$0x0] =	vst v3  }
0x1a0: {  	[tilespmem:s20+$0xFFFFFFE0] =	vst v1  }
0x1a1: {  	[spmem:s5] =	stream.indirect.scatter.add.f32 [tilespmem:s15], [sflag:$0x3], $0x1, s6, s9, $0xb8;
	[tilespmem:$0x1FE00] =	vst v63  }
.LBB2_20:
0x1a2: {  	s20 =	simm.s32 @!p6 $0x1  }
0x1a3: {  	_ =	swait.ge @!p6 [sflag:s20], $0xA00  }
0x1a4: {  	[sflag:s20] =	ssyncset.done @!p6 $0x0  }
0x1a5: {  	[sflag:s20] =	ssyncadd.s32 @!p6 $0xFFFFF600  }
0x1a6: {  	_ =	swait.ge @!p6 [sflag:s20], $0xA00  }
0x1a7: {  	[sflag:s20] =	ssyncset.done @!p6 $0x0  }
0x1a8: {  	[sflag:s20] =	ssyncadd.s32 @!p6 $0xFFFFF600  }
0x1a9: {  	_ =	swait.ge @!p6 [sflag:s20], $0xA00  }
0x1aa: {  	s21 =	sadd.s32 s28, s19;
	[sflag:s20] =	ssyncset.done @!p6 $0x0  }
0x1ab: {  	p3 =	sgt.u32 s21, $0x9C3;
	[sflag:s20] =	ssyncadd.s32 @!p6 $0xFFFFF600;
	s20 =	simm.s32 @!p4 $0x5  }
0x1ac: {  	s21 =	smul.u32 @!p3 $0x140, s21;
	_ =	swait.ge @!p4 [sflag:s20], $0xA00  }
0x1ad: {  	s22 =	simm.s32 @!p3 $0x0;
	[sflag:s20] =	ssyncset.done @!p4 $0x0  }
0x1ae: {  	s25 =	simm.s32 @!p3 $0x19500;
	[sflag:s20] =	ssyncadd.s32 @!p4 $0xFFFFF600;
	s20 =	sadd.s32 @!p3 s2, s21  }
0x1af: {  	[tilespmem:s25], [sflag:$0x2] =	stream.linear.gather @!p3 [hbm4b:s20+s22], $0xA00, $0x38;
	[tilespmem:$0x1FE00] =	vst v63  }
.Ltmp13:
0x1b0: {  	_ = 	snop;
	(pc) =	sbr.rel @p6 .LBB2_24-.Ltmp13, $4  }
0x1b1: {  	s20 =	sadd.s32 @!p3 s4, s21;
	s25 =	simm.s32 @!p3 $0x1A900  }
0x1b2: {  	[tilespmem:s25], [sflag:$0x2] =	stream.linear.gather @!p3 [hbm4b:s20+s22], $0xA00, $0x38;
	[tilespmem:$0x1FE00] =	vst v63  }
0x1b3: {  	s20 =	sadd.s32 @!p3 s3, s21;
	s21 =	simm.s32 @!p3 $0x1C700  }
0x1b4: {  	[tilespmem:s21], [sflag:$0x2] =	stream.linear.gather @!p3 [hbm4b:s20+s22], $0xA00, $0x38;
	[tilespmem:$0x1FE00] =	vst v63  }
0x1b5: {  	s20 =	simm.s32 $0x18B20  }
0x1b6: {  	s21 =	simm.s32 $0x19F20;
	v1 =	vld [tilespmem:s20+$0x10]  }
0x1b7: {  	v2 =	vld [tilespmem:s21+$0x10]  }
0x1b8: {  	v3 =	vld [tilespmem:s21+$0xFFFFFFE0]  }
0x1b9: {  	v4 =	vld [tilespmem:s20+$0xFFFFFFF0]  }
0x1ba: {  	v5 =	vld [tilespmem:s21+$0xFFFFFFF0]  }
0x1bb: {  	v6 =	vld [tilespmem:s20+$0x0]  }
0x1bc: {  	v7 =	vld [tilespmem:s21+$0x0]  }
0x1bd: {  	s25 =	simm.s32 $0x18B60;
	v8 =	vld [tilespmem:s20+$0xFFFFFFE0]  }
0x1be: {  	v9 =	vld [tilespmem:s25+$0x10]  }
0x1bf: {  	v12 =	vld [tilespmem:s25+$0xFFFFFFF0]  }
0x1c0: {  	v14 =	vld [tilespmem:s25+$0x0]  }
0x1c1: {  	s21 =	simm.s32 $0x19F60;
	v16 =	vld [tilespmem:s25+$0xFFFFFFE0]  }
0x1c2: {  	v10 =	vld [tilespmem:s21+$0x10]  }
0x1c3: {  	v11 =	vld [tilespmem:s21+$0xFFFFFFE0]  }
0x1c4: {  	v13 =	vld [tilespmem:s21+$0xFFFFFFF0]  }
0x1c5: {  	v15 =	vld [tilespmem:s21+$0x0]  }
0x1c6: {  	v1 =	vld.idx.msk [tilespmem:v1+s7+$0x0], $0xffff  }
0x1c7: {  	v2 =	vld.idx.msk [tilespmem:v2+s30+$0x0], $0xffff  }
0x1c8: {  	v3 =	vld.idx.msk [tilespmem:v3+s30+$0x0], $0xffff  }
0x1c9: {  	v4 =	vld.idx.msk [tilespmem:v4+s7+$0x0], $0xffff  }
0x1ca: {  	v5 =	vld.idx.msk [tilespmem:v5+s30+$0x0], $0xffff  }
0x1cb: {  	v6 =	vld.idx.msk [tilespmem:v6+s7+$0x0], $0xffff  }
0x1cc: {  	v7 =	vld.idx.msk [tilespmem:v7+s30+$0x0], $0xffff  }
0x1cd: {  	v8 =	vld.idx.msk [tilespmem:v8+s7+$0x0], $0xffff  }
0x1ce: {  	v9 =	vld.idx.msk [tilespmem:v9+s7+$0x0], $0xffff  }
0x1cf: {  	v10 =	vld.idx.msk [tilespmem:v10+s30+$0x0], $0xffff  }
0x1d0: {  	v17 =	vmul.f32 v2, v1;
	v1 =	vld.idx.msk [tilespmem:v11+s30+$0x0], $0xffff  }
0x1d1: {  	s22 =	simm.s32 $0x1D120;
	v5 =	vmul.f32 v5, v4;
	v2 =	vld.idx.msk [tilespmem:v12+s7+$0x0], $0xffff  }
0x1d2: {  	v6 =	vmul.f32 v7, v6;
	v4 =	vld.idx.msk [tilespmem:v13+s30+$0x0], $0xffff;
	[tilespmem:s22+$0x10] =	vst v17  }
0x1d3: {  	v7 =	vmul.f32 v3, v8;
	v3 =	vld.idx.msk [tilespmem:v14+s7+$0x0], $0xffff;
	[tilespmem:s22+$0xFFFFFFF0] =	vst v5  }
0x1d4: {  	[tilespmem:s22+$0x0] =	vst v6;
	v5 =	vld.idx.msk [tilespmem:v15+s30+$0x0], $0xffff  }
0x1d5: {  	s25 =	simm.s32 $0x40;
	s20 =	simm.s32 $0x18BA0;
	[tilespmem:s22+$0xFFFFFFE0] =	vst v7;
	v6 =	vld.idx.msk [tilespmem:v16+s7+$0x0], $0xffff;
	v7 =	vmul.f32 v10, v9  }
.LBB2_22:
0x1d6: {  	v8 =	vld [tilespmem:s20+$0x10];
	s21 =	sadd.s32 $0x40, s21;
	s22 =	sadd.s32 $0x40, s22  }
0x1d7: {  	s25 =	sadd.s32 $0x40, s25;
	v9 =	vld [tilespmem:s21+$0x10];
	[tilespmem:s22+$0x10] =	vst v7  }
0x1d8: {  	p4 =	slt.u32 s25, $0x9C0;
	v2 =	vmul.f32 v4, v2;
	v7 =	vld [tilespmem:s21+$0xFFFFFFE0]  }
0x1d9: {  	v4 =	vld [tilespmem:s20+$0xFFFFFFF0]  }
0x1da: {  	v10 =	vld [tilespmem:s21+$0xFFFFFFF0];
	[tilespmem:s22+$0xFFFFFFF0] =	vst v2;
	v2 =	vmul.f32 v5, v3  }
0x1db: {  	v1 =	vmul.f32 v1, v6;
	v3 =	vld [tilespmem:s20+$0x0]  }
0x1dc: {  	v5 =	vld [tilespmem:s21+$0x0];
	[tilespmem:s22+$0x0] =	vst v2  }
0x1dd: {  	v6 =	vld [tilespmem:s20+$0xFFFFFFE0];
	[tilespmem:s22+$0xFFFFFFE0] =	vst v1  }
0x1de: {  	v8 =	vld.idx.msk [tilespmem:v8+s7+$0x0], $0xffff  }
0x1df: {  	v9 =	vld.idx.msk [tilespmem:v9+s30+$0x0], $0xffff  }
0x1e0: {  	v1 =	vld.idx.msk [tilespmem:v7+s30+$0x0], $0xffff  }
.Ltmp14:
0x1e1: {  	v2 =	vld.idx.msk [tilespmem:v4+s7+$0x0], $0xffff;
	(pc) =	sbr.rel @p4 .LBB2_22-.Ltmp14, $4  }
0x1e2: {  	v4 =	vld.idx.msk [tilespmem:v10+s30+$0x0], $0xffff  }
0x1e3: {  	v3 =	vld.idx.msk [tilespmem:v3+s7+$0x0], $0xffff  }
0x1e4: {  	v5 =	vld.idx.msk [tilespmem:v5+s30+$0x0], $0xffff  }
0x1e5: {  	s20 =	sadd.s32 $0x40, s20;
	v7 =	vmul.f32 v9, v8;
	v6 =	vld.idx.msk [tilespmem:v6+s7+$0x0], $0xffff  }
0x1e6: {  	_ =	sdelay $0x1  }
0x1e7: {  	s20 =	sadd.s32 $0x40, s22;
	v2 =	vmul.f32 v4, v2  }
0x1e8: {  	[tilespmem:s20+$0x10] =	vst v7;
	v3 =	vmul.f32 v5, v3  }
0x1e9: {  	[tilespmem:s20+$0xFFFFFFF0] =	vst v2;
	v1 =	vmul.f32 v1, v6  }
0x1ea: {  	[tilespmem:s20+$0x0] =	vst v3  }
0x1eb: {  	[tilespmem:s20+$0xFFFFFFE0] =	vst v1  }
0x1ec: {  	[spmem:s5] =	stream.indirect.scatter.add.f32 [tilespmem:s10], [sflag:$0x4], $0x1, s12, s9, $0xb8;
	[tilespmem:$0x1FE00] =	vst v63  }
.LBB2_24:
0x1ed: {  	s20 =	simm.s32 @!p3 $0x2  }
0x1ee: {  	_ =	swait.ge @!p3 [sflag:s20], $0xA00  }
0x1ef: {  	[sflag:s20] =	ssyncset.done @!p3 $0x0  }
0x1f0: {  	[sflag:s20] =	ssyncadd.s32 @!p3 $0xFFFFF600  }
0x1f1: {  	_ =	swait.ge @!p3 [sflag:s20], $0xA00  }
0x1f2: {  	[sflag:s20] =	ssyncset.done @!p3 $0x0  }
0x1f3: {  	[sflag:s20] =	ssyncadd.s32 @!p3 $0xFFFFF600  }
0x1f4: {  	_ =	swait.ge @!p3 [sflag:s20], $0xA00  }
0x1f5: {  	s19 =	sadd.s32 s29, s19;
	[sflag:s20] =	ssyncset.done @!p3 $0x0  }
0x1f6: {  	p4 =	sgt.u32 s19, $0x9C3;
	[sflag:s20] =	ssyncadd.s32 @!p3 $0xFFFFF600;
	s20 =	simm.s32 @!p5 $0x3  }
0x1f7: {  	s19 =	smul.u32 @!p4 $0x140, s19;
	_ =	swait.ge @!p5 [sflag:s20], $0xA00  }
0x1f8: {  	s21 =	simm.s32 @!p4 $0x0;
	[sflag:s20] =	ssyncset.done @!p5 $0x0  }
0x1f9: {  	s22 =	simm.s32 @!p4 $0x18B00;
	[sflag:s20] =	ssyncadd.s32 @!p5 $0xFFFFF600;
	s20 =	sadd.s32 @!p4 s2, s19  }
0x1fa: {  	[tilespmem:s22], [sflag:$0x1] =	stream.linear.gather @!p4 [hbm4b:s20+s21], $0xA00, $0x38;
	[tilespmem:$0x1FE00] =	vst v63  }
.Ltmp15:
0x1fb: {  	_ = 	snop;
	(pc) =	sbr.rel @p3 .LBB2_28-.Ltmp15, $4  }
0x1fc: {  	s20 =	sadd.s32 @!p4 s4, s19;
	s22 =	simm.s32 @!p4 $0x19F00  }
0x1fd: {  	[tilespmem:s22], [sflag:$0x1] =	stream.linear.gather @!p4 [hbm4b:s20+s21], $0xA00, $0x38;
	[tilespmem:$0x1FE00] =	vst v63  }
0x1fe: {  	s19 =	sadd.s32 @!p4 s3, s19;
	s20 =	simm.s32 @!p4 $0x1B300  }
0x1ff: {  	[tilespmem:s20], [sflag:$0x1] =	stream.linear.gather @!p4 [hbm4b:s19+s21], $0xA00, $0x38;
	[tilespmem:$0x1FE00] =	vst v63  }
0x200: {  	s19 =	simm.s32 $0x19520  }
0x201: {  	s20 =	simm.s32 $0x1A920;
	v1 =	vld [tilespmem:s19+$0x10]  }
0x202: {  	v2 =	vld [tilespmem:s20+$0x10]  }
0x203: {  	v3 =	vld [tilespmem:s20+$0xFFFFFFE0]  }
0x204: {  	v4 =	vld [tilespmem:s19+$0xFFFFFFF0]  }
0x205: {  	v5 =	vld [tilespmem:s20+$0xFFFFFFF0]  }
0x206: {  	v6 =	vld [tilespmem:s19+$0x0]  }
0x207: {  	v7 =	vld [tilespmem:s20+$0x0]  }
0x208: {  	s25 =	simm.s32 $0x19560;
	v8 =	vld [tilespmem:s19+$0xFFFFFFE0]  }
0x209: {  	v9 =	vld [tilespmem:s25+$0x10]  }
0x20a: {  	v12 =	vld [tilespmem:s25+$0xFFFFFFF0]  }
0x20b: {  	v14 =	vld [tilespmem:s25+$0x0]  }
0x20c: {  	s19 =	simm.s32 $0x1A960;
	v16 =	vld [tilespmem:s25+$0xFFFFFFE0]  }
0x20d: {  	v10 =	vld [tilespmem:s19+$0x10]  }
0x20e: {  	v11 =	vld [tilespmem:s19+$0xFFFFFFE0]  }
0x20f: {  	v13 =	vld [tilespmem:s19+$0xFFFFFFF0]  }
0x210: {  	v15 =	vld [tilespmem:s19+$0x0]  }
0x211: {  	v1 =	vld.idx.msk [tilespmem:v1+s7+$0x0], $0xffff  }
0x212: {  	v2 =	vld.idx.msk [tilespmem:v2+s30+$0x0], $0xffff  }
0x213: {  	v3 =	vld.idx.msk [tilespmem:v3+s30+$0x0], $0xffff  }
0x214: {  	v4 =	vld.idx.msk [tilespmem:v4+s7+$0x0], $0xffff  }
0x215: {  	v5 =	vld.idx.msk [tilespmem:v5+s30+$0x0], $0xffff  }
0x216: {  	v6 =	vld.idx.msk [tilespmem:v6+s7+$0x0], $0xffff  }
0x217: {  	v7 =	vld.idx.msk [tilespmem:v7+s30+$0x0], $0xffff  }
0x218: {  	v8 =	vld.idx.msk [tilespmem:v8+s7+$0x0], $0xffff  }
0x219: {  	v9 =	vld.idx.msk [tilespmem:v9+s7+$0x0], $0xffff  }
0x21a: {  	v10 =	vld.idx.msk [tilespmem:v10+s30+$0x0], $0xffff  }
0x21b: {  	v17 =	vmul.f32 v2, v1;
	v1 =	vld.idx.msk [tilespmem:v11+s30+$0x0], $0xffff  }
0x21c: {  	s21 =	simm.s32 $0x1DB20;
	v5 =	vmul.f32 v5, v4;
	v2 =	vld.idx.msk [tilespmem:v12+s7+$0x0], $0xffff  }
0x21d: {  	v6 =	vmul.f32 v7, v6;
	v4 =	vld.idx.msk [tilespmem:v13+s30+$0x0], $0xffff;
	[tilespmem:s21+$0x10] =	vst v17  }
0x21e: {  	v7 =	vmul.f32 v3, v8;
	v3 =	vld.idx.msk [tilespmem:v14+s7+$0x0], $0xffff;
	[tilespmem:s21+$0xFFFFFFF0] =	vst v5  }
0x21f: {  	[tilespmem:s21+$0x0] =	vst v6;
	v5 =	vld.idx.msk [tilespmem:v15+s30+$0x0], $0xffff  }
0x220: {  	s22 =	simm.s32 $0x40;
	s20 =	simm.s32 $0x195A0;
	[tilespmem:s21+$0xFFFFFFE0] =	vst v7;
	v6 =	vld.idx.msk [tilespmem:v16+s7+$0x0], $0xffff;
	v7 =	vmul.f32 v10, v9  }
.LBB2_26:
0x221: {  	v8 =	vld [tilespmem:s20+$0x10];
	s19 =	sadd.s32 $0x40, s19;
	s21 =	sadd.s32 $0x40, s21  }
0x222: {  	s22 =	sadd.s32 $0x40, s22;
	v9 =	vld [tilespmem:s19+$0x10];
	[tilespmem:s21+$0x10] =	vst v7  }
0x223: {  	p3 =	slt.u32 s22, $0x9C0;
	v2 =	vmul.f32 v4, v2;
	v7 =	vld [tilespmem:s19+$0xFFFFFFE0]  }
0x224: {  	v4 =	vld [tilespmem:s20+$0xFFFFFFF0]  }
0x225: {  	v10 =	vld [tilespmem:s19+$0xFFFFFFF0];
	[tilespmem:s21+$0xFFFFFFF0] =	vst v2;
	v2 =	vmul.f32 v5, v3  }
0x226: {  	v1 =	vmul.f32 v1, v6;
	v3 =	vld [tilespmem:s20+$0x0]  }
0x227: {  	v5 =	vld [tilespmem:s19+$0x0];
	[tilespmem:s21+$0x0] =	vst v2  }
0x228: {  	v6 =	vld [tilespmem:s20+$0xFFFFFFE0];
	[tilespmem:s21+$0xFFFFFFE0] =	vst v1  }
0x229: {  	v8 =	vld.idx.msk [tilespmem:v8+s7+$0x0], $0xffff  }
0x22a: {  	v9 =	vld.idx.msk [tilespmem:v9+s30+$0x0], $0xffff  }
0x22b: {  	v1 =	vld.idx.msk [tilespmem:v7+s30+$0x0], $0xffff  }
.Ltmp16:
0x22c: {  	v2 =	vld.idx.msk [tilespmem:v4+s7+$0x0], $0xffff;
	(pc) =	sbr.rel @p3 .LBB2_26-.Ltmp16, $4  }
0x22d: {  	v4 =	vld.idx.msk [tilespmem:v10+s30+$0x0], $0xffff  }
0x22e: {  	v3 =	vld.idx.msk [tilespmem:v3+s7+$0x0], $0xffff  }
0x22f: {  	v5 =	vld.idx.msk [tilespmem:v5+s30+$0x0], $0xffff  }
0x230: {  	s20 =	sadd.s32 $0x40, s20;
	v7 =	vmul.f32 v9, v8;
	v6 =	vld.idx.msk [tilespmem:v6+s7+$0x0], $0xffff  }
0x231: {  	_ =	sdelay $0x1  }
0x232: {  	s19 =	sadd.s32 $0x40, s21;
	v2 =	vmul.f32 v4, v2  }
.Ltmp17:
0x233: {  	[tilespmem:s19+$0x10] =	vst v7;
	v3 =	vmul.f32 v5, v3;
	(pc) =	sbr.rel .LBB2_28-.Ltmp17, $4  }
0x234: {  	[tilespmem:s19+$0xFFFFFFF0] =	vst v2;
	v1 =	vmul.f32 v1, v6  }
0x235: {  	[tilespmem:s19+$0x0] =	vst v3  }
0x236: {  	[tilespmem:s19+$0xFFFFFFE0] =	vst v1  }
0x237: {  	[spmem:s5] =	stream.indirect.scatter.add.f32 [tilespmem:s15], [sflag:$0x5], $0x1, s31, s9, $0xb8;
	[tilespmem:$0x1FE00] =	vst v63  }
.LBB2_30:
0x238: {  	_ =	sfence.sel $0x180000  }
0x239: {  	[bflag:$0x0] =	sbarrier.arrive $0xFFFF  }
0x23a: {  	_ =	strace $0x90000047  }
0x23b: {  	s0 =	stileid.u32;
	[bflag:$0x2] =	sbarrier.arrive $0xFFFF  }
0x23c: {  	p0 =	sne.s32 s0, $0x0;
	s0 =	rddreg [dreg:$0x7]  }
0x23d: {  	s0 =	sadd.s32 @!p0 $0x100000, s0  }
0x23e: {  	[sflag:s0] =	ssyncadd.tile.s32 @!p0 $0x1;
	_ =	shalt  }
.Lfunc_end2:
_tile_overlayer_lowered:
.L_overlay_start_2:
0x23f: {  	(tag) =	ssettag $0x2  }
0x240: {  	s0 =	rddreg [dreg:$0x0];
	s2 =	stileid.u32  }
0x241: {  	s1 =	rddreg [dreg:$0x1];
	p0 =	sne.s32 s2, $0x0  }
0x242: {  	s3 =	rddreg [dreg:$0x2];
	[bflag:$0x3] =	sbarrier.arrive $0xFFFF;
	s2 =	simm.s32 @!p0 $0x1C06  }
0x243: {  	[timem:s3], [sflag:s2] =	dma.local @!p0 [hbm:s0], s1  }
0x244: {  	s0 =	simm.s32 @!p0 $0x6  }
0x245: {  	_ =	swait.ge @!p0 [sflag:s0], s1  }
0x246: {  	s1 =	ssub.s32 @!p0 $0x0, s1;
	[sflag:s0] =	ssyncset.done @!p0 $0x0  }
0x247: {  	[sflag:s0] =	ssyncadd.s32 @!p0 s1  }
0x248: {  	[bflag:$0x3] =	sbarrier.arrive $0xFFFF  }
0x249: {  	_ =	shalt  }

</sc_bundles>
